<compile_context>
chip_gen: v7x
topology: tpu7x:2x2x1
jax: 0.10.2.dev20260603
libtpu: 0.0.44.dev20260713+nightly
codegen_flags: <defaults>
</compile_context>

<pallas_src>
import functools

import jax
import jax.numpy as jnp
from jax import lax
from jax.experimental import pallas as pl
from jax.experimental.pallas import tpu as pltpu
from jax.experimental.pallas import tpu_sc as plsc

NC = 2
NS = 16
NW = NC * NS
EB = 128
CH = 16
TB0 = 144
TB1 = 16


def _scores_body(K128, nvalid, np_rows, d, x_ref, wp_ref, wrow_ref,
                 g_ref, kept_ref):
    X = x_ref[...]
    SB = jnp.dot(X, wp_ref[...], preferred_element_type=jnp.float32)
    w = wrow_ref[...]
    norm = jnp.sqrt(jnp.sum(w * w))
    ts = jnp.tanh(SB / norm)

    i = lax.bitcast_convert_type(ts, jnp.int32)
    key = i ^ (lax.shift_right_arithmetic(i, 31) & jnp.int32(0x7FFFFFFF))
    rows = lax.broadcasted_iota(jnp.int32, (np_rows, d), 0)
    valid = rows < nvalid

    def count(pred):
        return jnp.sum(pred.astype(jnp.int32))

    neg_inf = jnp.int32(-2**31)
    c0 = count(valid & (key >= jnp.int32(0)))
    T0 = jnp.where(c0 >= K128, jnp.int32(0), neg_inf)

    def sbody(it, T):
        cand = T + lax.shift_left(jnp.int32(1), 30 - it)
        c = count(valid & (key >= cand))
        return jnp.where(c >= K128, cand, T)

    T = lax.fori_loop(0, 31, sbody, T0)

    cgt = count(valid & (key > T))
    m128 = K128 - cgt
    tie = valid & (key == T)

    def tbody(it, T2):
        cand = T2 + lax.shift_left(jnp.int32(1), 13 - it)
        c = count(tie & (rows < cand))
        return jnp.where(c <= m128, cand, T2)

    T2 = lax.fori_loop(0, 14, tbody, jnp.int32(0))

    kept = valid & ((key > T) | (tie & (rows < T2)))
    g_ref[...] = jnp.where(kept, ts, 0.0)
    kept_ref[...] = kept.astype(jnp.float32)


def _mlp1_body(x_ref, a0_ref, a1_ref, g_ref, W1_ref, b1_ref, W2_ref, b2_ref,
               y_ref):
    h = x_ref[...] + a0_ref[...] + a1_ref[...]
    t = jnp.dot(h, W1_ref[...], preferred_element_type=jnp.float32) + b1_ref[...]
    t = jnp.maximum(t, 0.0)
    t = jnp.dot(t, W2_ref[...], preferred_element_type=jnp.float32) + b2_ref[...]
    t = jnp.maximum(t, 0.0)
    y_ref[...] = t * g_ref[...]


def _mlp2_body(nsteps, inv_k, y_ref, a0_ref, a1_ref, kept_ref,
               W3_ref, b3_ref, W4_ref, b4_ref, o_ref):
    kp = kept_ref[...]
    z = (y_ref[...] + a0_ref[...] + a1_ref[...]) * kp
    t = jnp.dot(z, W3_ref[...], preferred_element_type=jnp.float32) + b3_ref[...]
    t = jnp.maximum(t, 0.0)
    t = jnp.dot(t, W4_ref[...], preferred_element_type=jnp.float32) + b4_ref[...]
    t = jnp.maximum(t, 0.0) * kp

    @pl.when(pl.program_id(0) == 0)
    def _():
        o_ref[...] = jnp.zeros_like(o_ref)

    o_ref[...] += jnp.sum(t, axis=0, keepdims=True)

    @pl.when(pl.program_id(0) == nsteps - 1)
    def _():
        o_ref[...] *= inv_k


def _make_segsum(np_rows, d):
    mesh = plsc.VectorSubcoreMesh(core_axis_name="c", subcore_axis_name="s",
                                  num_cores=NC, num_subcores=NS)
    rows_per_tile = np_rows // NS
    tb_total = NS * (TB0 + TB1)

    @functools.partial(
        pl.kernel,
        out_type=jax.ShapeDtypeStruct((NC, np_rows, d), jnp.float32),
        mesh=mesh,
        scratch_types=[
            pltpu.VMEM((CH, EB), jnp.int32),
            pltpu.VMEM((CH, EB), jnp.int32),
            pltpu.VMEM((EB, d), jnp.float32),
            pltpu.VMEM((EB, d), jnp.float32),
            pltpu.VMEM_SHARED((np_rows, d), jnp.float32),
            pltpu.SemaphoreType.DMA,
            pltpu.SemaphoreType.DMA,
        ],
    )
    def segsum(tables, srcs, dsts, zrows, out,
               src_v, dst_v, buf_a, buf_b, acc, sem_a, sem_b):
        c = lax.axis_index("c")
        s = lax.axis_index("s")
        table = tables.at[c]
        r0 = s * rows_per_tile
        base = jnp.where(c == 0, s * TB0, NS * TB0 + s * TB1)
        n_chunks = jnp.where(c == 0, TB0 // CH, TB1 // CH)

        pltpu.sync_copy(zrows.at[pl.ds(r0, rows_per_tile)],
                        acc.at[pl.ds(r0, rows_per_tile)])
        plsc.subcore_barrier()

        @pl.loop(0, n_chunks)
        def _(ch):
            b0 = base + ch * CH
            pltpu.sync_copy(srcs.at[pl.ds(b0, CH)], src_v)
            pltpu.sync_copy(dsts.at[pl.ds(b0, CH)], dst_v)
            pltpu.async_copy(table.at[src_v.at[0]], buf_a, sem_a)

            @pl.loop(0, CH, step=2)
            def _(b):
                pltpu.async_copy(table.at[src_v.at[b + 1]], buf_b, sem_b)
                pltpu.make_async_copy(table.at[src_v.at[b]], buf_a,
                                      sem_a).wait()
                pltpu.sync_copy(buf_a, acc.at[dst_v.at[b]], add=True)

                @pl.when(b + 2 < CH)
                def _():
                    pltpu.async_copy(table.at[src_v.at[b + 2]], buf_a, sem_a)

                pltpu.make_async_copy(table.at[src_v.at[b + 1]], buf_b,
                                      sem_b).wait()
                pltpu.sync_copy(buf_b, acc.at[dst_v.at[b + 1]], add=True)

        plsc.subcore_barrier()
        pltpu.sync_copy(acc.at[pl.ds(r0, rows_per_tile)],
                        out.at[c, pl.ds(r0, rows_per_tile)])

    return segsum


def kernel(x, edge_index, batch, W1, b1, W2, b2, w_pool, W3, b3, W4, b4):
    n, d = x.shape
    e = edge_index.shape[1]
    k = (n + 1) // 2

    np_rows = -(-(n + 1) // 128) * 128
    rb = np_rows // 8
    tb_total = NS * (TB0 + TB1)
    ep = tb_total * EB
    assert ep >= e and TB0 % CH == 0 and TB1 % CH == 0

    x_pad = jnp.zeros((np_rows, d), jnp.float32).at[:n].set(x)
    srcp = jnp.full((ep,), n, jnp.int32).at[:e].set(edge_index[0])
    dstp = jnp.full((ep,), n, jnp.int32).at[:e].set(edge_index[1])
    srcp = srcp.reshape(tb_total, EB)
    dstp = dstp.reshape(tb_total, EB)
    zrows = jnp.zeros((np_rows, d), jnp.float32)
    WP = jnp.broadcast_to(w_pool[:, None], (d, d))
    wrow = w_pool.reshape(1, d)
    b1r, b2r, b3r, b4r = (bb.reshape(1, d) for bb in (b1, b2, b3, b4))

    f32 = jnp.float32
    g, kept = pl.pallas_call(
        functools.partial(_scores_body, k * d, n, np_rows, d),
        out_shape=[jax.ShapeDtypeStruct((np_rows, d), f32),
                   jax.ShapeDtypeStruct((np_rows, d), f32)],
    )(x_pad, WP, wrow)

    segsum = _make_segsum(np_rows, d)

    def two_parts(res):
        return (res[0], res[1]) if NC == 2 else (res[0], zrows)

    def seg2(table):
        t2 = jnp.broadcast_to(table, (NC, np_rows, d))
        return two_parts(segsum(t2, srcp, dstp, zrows))

    a = seg2(x_pad)

    nsteps = np_rows // rb
    row_spec = pl.BlockSpec((rb, d), lambda i: (i, 0))
    mat_spec = pl.BlockSpec((d, d), lambda i: (0, 0))
    vec_spec = pl.BlockSpec((1, d), lambda i: (0, 0))

    y = pl.pallas_call(
        _mlp1_body,
        grid=(nsteps,),
        in_specs=[row_spec, row_spec, row_spec, row_spec,
                  mat_spec, vec_spec, mat_spec, vec_spec],
        out_specs=row_spec,
        out_shape=jax.ShapeDtypeStruct((np_rows, d), f32),
    )(x_pad, a[0], a[1], g, W1, b1r, W2, b2r)

    a2 = seg2(y)

    out = pl.pallas_call(
        functools.partial(_mlp2_body, nsteps, 1.0 / float(k)),
        grid=(nsteps,),
        in_specs=[row_spec, row_spec, row_spec, row_spec,
                  mat_spec, vec_spec, mat_spec, vec_spec],
        out_specs=vec_spec,
        out_shape=jax.ShapeDtypeStruct((1, d), f32),
    )(y, a2[0], a2[1], kept, W3, b3r, W4, b4r)

    return out

# --- scband reference (transcript-rebuilt; emitter-appended) ---
"""Pipeline reference for scband-graph-encode-85452669321959 (READ-ONLY COPY).

The authoritative reference and input builder live on the scoring server;
editing this copy changes nothing except your own understanding.
"""

import jax, jax.numpy as jnp
import numpy as np
import math

N = 10000
E = 320000
D = 128
H = 128


def setup_inputs(seed: int = 0) -> dict:
    key = jax.random.key(seed)
    ks = jax.random.split(key, 8)
    x = jax.random.normal(ks[0], (N, D), dtype=jnp.float32)
    edge_index = jax.random.randint(ks[1], (2, E), 0, N, dtype=jnp.int32)
    batch = jnp.zeros((N,), dtype=jnp.int32)
    s = 0.05
    W1 = jax.random.normal(ks[2], (D, H), dtype=jnp.float32) * s
    b1 = jnp.zeros((H,), dtype=jnp.float32)
    W2 = jax.random.normal(ks[3], (H, H), dtype=jnp.float32) * s
    b2 = jnp.zeros((H,), dtype=jnp.float32)
    w_pool = jax.random.normal(ks[4], (D,), dtype=jnp.float32)
    W3 = jax.random.normal(ks[5], (H, H), dtype=jnp.float32) * s
    b3 = jnp.zeros((H,), dtype=jnp.float32)
    W4 = jax.random.normal(ks[6], (H, H), dtype=jnp.float32) * s
    b4 = jnp.zeros((H,), dtype=jnp.float32)
    return {"x": x, "edge_index": edge_index, "batch": batch,
            "W1": W1, "b1": b1, "W2": W2, "b2": b2,
            "w_pool": w_pool, "W3": W3, "b3": b3, "W4": W4, "b4": b4}


def _gin(x, src, dst, W_a, b_a, W_b, b_b, msg_mask=None):
    # PyG GINConv with eps=0: mlp((1+eps)*x + sum_{j->i} x_j)
    msgs = x[src]
    if msg_mask is not None:
        msgs = msgs * msg_mask[:, None]
    aggr = jax.ops.segment_sum(msgs, dst, num_segments=x.shape[0])
    h = x + aggr
    h = jnp.dot(h, W_a) + b_a
    h = jnp.maximum(h, 0.0)
    h = jnp.dot(h, W_b) + b_b
    return h


def reference(x, edge_index, batch, W1, b1, W2, b2, w_pool, W3, b3, W4, b4):
    n = x.shape[0]
    src = edge_index[0]
    dst = edge_index[1]
    # GINConv 1 + ReLU
    out = jnp.maximum(_gin(x, src, dst, W1, b1, W2, b2), 0.0)
    # TopKPooling(ratio=0.5), attn = original x, nonlinearity tanh
    score = jnp.tanh(jnp.dot(x, w_pool) / jnp.linalg.norm(w_pool))
    k = int(math.ceil(0.5 * n))
    top_scores, perm = jax.lax.top_k(score, k)
    new_x = out[perm] * top_scores[:, None]
    kept = jnp.zeros((n,), dtype=bool).at[perm].set(True)
    inv = jnp.zeros((n,), dtype=jnp.int32).at[perm].set(jnp.arange(k, dtype=jnp.int32))
    emask = kept[src] & kept[dst]
    new_src = jnp.where(emask, inv[src], 0)
    new_dst = jnp.where(emask, inv[dst], 0)
    # GINConv 2 on pooled graph (masked edges contribute zero) + ReLU
    out2 = jnp.maximum(_gin(new_x, new_src, new_dst, W3, b3, W4, b4,
                            msg_mask=emask.astype(new_x.dtype)), 0.0)
    # global_mean_pool over batch assignment of kept nodes
    new_batch = batch[perm]
    num_graphs = 1
    sums = jax.ops.segment_sum(out2, new_batch, num_segments=num_graphs)
    counts = jax.ops.segment_sum(jnp.ones((k,), dtype=out2.dtype), new_batch, num_segments=num_graphs)
    return sums / jnp.maximum(counts, 1.0)[:, None]

if __name__ == "__main__":
    import jax
    _d = setup_inputs()
    print(jax.jit(kernel)(*tuple(_d.values())))

</pallas_src>

<mosaic_0001>
#map = affine_map<(d0, d1) -> (0, 0, 0)>
#map1 = affine_map<(d0, d1) -> (0, 0)>
module attributes {stable_mosaic.version = 14 : i64} {
  func.func @segsum(%arg0: i32, %arg1: i32, %arg2: memref<2x10112x128xf32, #tpu.memory_space<hbm>>, %arg3: memref<2560x128xi32, #tpu.memory_space<hbm>>, %arg4: memref<2560x128xi32, #tpu.memory_space<hbm>>, %arg5: memref<10112x128xf32, #tpu.memory_space<hbm>>, %arg6: memref<2x10112x128xf32, #tpu.memory_space<hbm>>, %arg7: memref<16x128xi32, #tpu.memory_space<vmem>>, %arg8: memref<16x128xi32, #tpu.memory_space<vmem>>, %arg9: memref<128x128xf32, #tpu.memory_space<vmem>>, %arg10: memref<128x128xf32, #tpu.memory_space<vmem>>, %arg11: memref<10112x128xf32, #tpu.memory_space<vmem_shared>>, %arg12: memref<!tpu.dma_semaphore, #tpu.memory_space<semaphore_mem>>, %arg13: memref<!tpu.dma_semaphore, #tpu.memory_space<semaphore_mem>>) attributes {dimension_semantics = [#tpu.dimension_semantics<core_parallel>, #tpu.dimension_semantics<subcore_parallel>], iteration_bounds = array<i64: 2, 16>, scalar_prefetch = 0 : i64, scratch_operands = 7 : i64, tpu.core_type = #tpu.core_type<sc_vector_subcore>, window_params = [{transform_indices = #map}, {transform_indices = #map1}, {transform_indices = #map1}, {transform_indices = #map1}, {transform_indices = #map}]} {
    %mul3A = arith.constant 632 : i32
    %mul3A_0 = arith.muli %arg1, %mul3A : i32
    %eq3A = arith.constant 0 : i32
    %eq3A_1 = arith.cmpi eq, %arg0, %eq3A : i32
    %mul3A_2 = arith.constant 144 : i32
    %mul3A_3 = arith.muli %arg1, %mul3A_2 : i32
    %mul3A_4 = arith.constant 16 : i32
    %mul3A_5 = arith.muli %arg1, %mul3A_4 : i32
    %add3A = arith.constant 2304 : i32
    %add3A_6 = arith.addi %add3A, %mul3A_5 : i32
    %select_n3A = arith.select %eq3A_1, %mul3A_3, %add3A_6 : i32
    %eq3A_7 = arith.constant 0 : i32
    %eq3A_8 = arith.cmpi eq, %arg0, %eq3A_7 : i32
    %jit3A = arith.constant 9 : i32
    %jit3A_9 = arith.constant 1 : i32
    %select_n3A_10 = arith.select %eq3A_8, %jit3A, %jit3A_9 : i32
    "tpu.region"() ({
      %run_scoped3A = tpu.sem_alloc : memref<!tpu.dma_semaphore, #tpu.memory_space<semaphore_mem>>
      %dma_start3A = arith.constant 0 : i32
      %dma_start3A_28 = tpu.memref_slice %arg11[%mul3A_0, %dma_start3A] : memref<10112x128xf32, #tpu.memory_space<vmem_shared>> -> memref<632x128xf32, #tpu.memory_space<vmem_shared>>
      %dma_start3A_29 = arith.constant 0 : i32
      %dma_start3A_30 = tpu.memref_slice %arg5[%mul3A_0, %dma_start3A_29] : memref<10112x128xf32, #tpu.memory_space<hbm>> -> memref<632x128xf32, #tpu.memory_space<hbm>>
      tpu.enqueue_dma source(%dma_start3A_30 : memref<632x128xf32, #tpu.memory_space<hbm>>) target(%dma_start3A_28 : memref<632x128xf32, #tpu.memory_space<vmem_shared>>) target_semaphore(%run_scoped3A : memref<!tpu.dma_semaphore, #tpu.memory_space<semaphore_mem>>)
      %dma_wait3A = arith.constant 0 : i32
      %dma_wait3A_31 = tpu.memref_slice %arg11[%mul3A_0, %dma_wait3A] : memref<10112x128xf32, #tpu.memory_space<vmem_shared>> -> memref<632x128xf32, #tpu.memory_space<vmem_shared>>
      %dma_wait3A_32 = arith.constant 0 : i32
      %dma_wait3A_33 = tpu.memref_slice %arg5[%mul3A_0, %dma_wait3A_32] : memref<10112x128xf32, #tpu.memory_space<hbm>> -> memref<632x128xf32, #tpu.memory_space<hbm>>
      tpu.wait_dma2 semaphore(%run_scoped3A : memref<!tpu.dma_semaphore, #tpu.memory_space<semaphore_mem>>) src(%dma_wait3A_33 : memref<632x128xf32, #tpu.memory_space<hbm>>) dst(%dma_wait3A_31 : memref<632x128xf32, #tpu.memory_space<vmem_shared>>)
      tpu.yield
    }) : () -> ()
    %barrier3A = arith.constant 0 : index
    tpu.barrier barrier_id(%barrier3A)
    %sub3A = arith.constant 0 : i32
    %sub3A_11 = arith.subi %select_n3A_10, %sub3A : i32
    %sub3A_12 = arith.constant 1 : i32
    %sub3A_13 = arith.constant 1 : i32
    %sub3A_14 = arith.subi %sub3A_12, %sub3A_13 : i32
    %add3A_15 = arith.addi %sub3A_11, %sub3A_14 : i32
    %div3A = arith.constant 1 : i32
    %div3A_16 = arith.divsi %add3A_15, %div3A : i32
    %while3A = arith.constant 1 : i32
    %while3A_17 = arith.constant 0 : i32
    %while3A_18 = arith.constant 0 : i32
    %while3A_19 = arith.subi %div3A_16, %while3A_18 : i32
    %while3A_20 = arith.addi %while3A_18, %while3A_19 : i32
    %while3A_21 = arith.constant 1 : i32
    %while3A_22 = arith.divsi %while3A_19, %while3A_21 : i32
    %while3A_23 = arith.muli %while3A_22, %while3A_21 : i32
    %while3A_24 = arith.addi %while3A_18, %while3A_23 : i32
    %while3A_25 = arith.constant 1 : i32
    scf.for %while3A_28 = %while3A_18 to %while3A_24 step %while3A_25  : i32 {
      %mul3A_29 = arith.muli %while3A_28, %while3A : i32
      %add3A_30 = arith.addi %while3A_17, %mul3A_29 : i32
      %mul3A_31 = arith.constant 16 : i32
      %mul3A_32 = arith.muli %add3A_30, %mul3A_31 : i32
      %add3A_33 = arith.addi %select_n3A, %mul3A_32 : i32
      "tpu.region"() ({
        %run_scoped3A = tpu.sem_alloc : memref<!tpu.dma_semaphore, #tpu.memory_space<semaphore_mem>>
        %dma_start3A_48 = arith.constant 0 : i32
        %dma_start3A_49 = tpu.memref_slice %arg3[%add3A_33, %dma_start3A_48] : memref<2560x128xi32, #tpu.memory_space<hbm>> -> memref<16x128xi32, #tpu.memory_space<hbm>>
        %dma_start3A_50 = arith.constant 0 : i32
        %dma_start3A_51 = tpu.memref_slice %arg3[%add3A_33, %dma_start3A_50] : memref<2560x128xi32, #tpu.memory_space<hbm>> -> memref<16x128xi32, #tpu.memory_space<hbm>>
        tpu.enqueue_dma source(%dma_start3A_51 : memref<16x128xi32, #tpu.memory_space<hbm>>) target(%arg7 : memref<16x128xi32, #tpu.memory_space<vmem>>) target_semaphore(%run_scoped3A : memref<!tpu.dma_semaphore, #tpu.memory_space<semaphore_mem>>)
        %dma_wait3A = arith.constant 0 : i32
        %dma_wait3A_52 = tpu.memref_slice %arg3[%add3A_33, %dma_wait3A] : memref<2560x128xi32, #tpu.memory_space<hbm>> -> memref<16x128xi32, #tpu.memory_space<hbm>>
        %dma_wait3A_53 = arith.constant 0 : i32
        %dma_wait3A_54 = tpu.memref_slice %arg3[%add3A_33, %dma_wait3A_53] : memref<2560x128xi32, #tpu.memory_space<hbm>> -> memref<16x128xi32, #tpu.memory_space<hbm>>
        tpu.wait_dma2 semaphore(%run_scoped3A : memref<!tpu.dma_semaphore, #tpu.memory_space<semaphore_mem>>) src(%dma_wait3A_54 : memref<16x128xi32, #tpu.memory_space<hbm>>) dst(%arg7 : memref<16x128xi32, #tpu.memory_space<vmem>>)
        tpu.yield
      }) : () -> ()
      "tpu.region"() ({
        %run_scoped3A = tpu.sem_alloc : memref<!tpu.dma_semaphore, #tpu.memory_space<semaphore_mem>>
        %dma_start3A_48 = arith.constant 0 : i32
        %dma_start3A_49 = tpu.memref_slice %arg4[%add3A_33, %dma_start3A_48] : memref<2560x128xi32, #tpu.memory_space<hbm>> -> memref<16x128xi32, #tpu.memory_space<hbm>>
        %dma_start3A_50 = arith.constant 0 : i32
        %dma_start3A_51 = tpu.memref_slice %arg4[%add3A_33, %dma_start3A_50] : memref<2560x128xi32, #tpu.memory_space<hbm>> -> memref<16x128xi32, #tpu.memory_space<hbm>>
        tpu.enqueue_dma source(%dma_start3A_51 : memref<16x128xi32, #tpu.memory_space<hbm>>) target(%arg8 : memref<16x128xi32, #tpu.memory_space<vmem>>) target_semaphore(%run_scoped3A : memref<!tpu.dma_semaphore, #tpu.memory_space<semaphore_mem>>)
        %dma_wait3A = arith.constant 0 : i32
        %dma_wait3A_52 = tpu.memref_slice %arg4[%add3A_33, %dma_wait3A] : memref<2560x128xi32, #tpu.memory_space<hbm>> -> memref<16x128xi32, #tpu.memory_space<hbm>>
        %dma_wait3A_53 = arith.constant 0 : i32
        %dma_wait3A_54 = tpu.memref_slice %arg4[%add3A_33, %dma_wait3A_53] : memref<2560x128xi32, #tpu.memory_space<hbm>> -> memref<16x128xi32, #tpu.memory_space<hbm>>
        tpu.wait_dma2 semaphore(%run_scoped3A : memref<!tpu.dma_semaphore, #tpu.memory_space<semaphore_mem>>) src(%dma_wait3A_54 : memref<16x128xi32, #tpu.memory_space<hbm>>) dst(%arg8 : memref<16x128xi32, #tpu.memory_space<vmem>>)
        tpu.yield
      }) : () -> ()
      %dma_start3A = arith.constant 0 : i32
      %dma_start3A_34 = arith.constant 0 : i32
      %dma_start3A_35 = tpu.memref_slice %arg7[%dma_start3A, %dma_start3A_34] : memref<16x128xi32, #tpu.memory_space<vmem>> -> memref<1x128xi32, #tpu.memory_space<vmem>>
      %dma_start3A_36 = tpu.memref_squeeze %dma_start3A_35 : memref<1x128xi32, #tpu.memory_space<vmem>> -> memref<128xi32, #tpu.memory_space<vmem>>
      %dma_start3A_37 = arith.constant 0 : i32
      %dma_start3A_38 = arith.constant 0 : i32
      %dma_start3A_39 = tpu.memref_slice %arg2[%arg0, %dma_start3A_37, %dma_start3A_38] : memref<2x10112x128xf32, #tpu.memory_space<hbm>> -> memref<1x10112x128xf32, #tpu.memory_space<hbm>>
      %dma_start3A_40 = tpu.memref_squeeze %dma_start3A_39 : memref<1x10112x128xf32, #tpu.memory_space<hbm>> -> memref<10112x128xf32, #tpu.memory_space<hbm>>
      %dma_start3A_41 = arith.constant 0 : i32
      %dma_start3A_42 = arith.constant 0 : i32
      %dma_start3A_43 = tpu.memref_slice %dma_start3A_40[%dma_start3A_41, %dma_start3A_42] : memref<10112x128xf32, #tpu.memory_space<hbm>> -> memref<10112x128xf32, #tpu.memory_space<hbm>>
      tpu.enqueue_indirect_dma source(%dma_start3A_43 : memref<10112x128xf32, #tpu.memory_space<hbm>>) target(%arg9 : memref<128x128xf32, #tpu.memory_space<vmem>>) offsets(%dma_start3A_36 : memref<128xi32, #tpu.memory_space<vmem>>) semaphore(%arg12 : memref<!tpu.dma_semaphore, #tpu.memory_space<semaphore_mem>>)
      %scan3A = arith.constant 0 : i32
      %scan3A_44 = arith.constant 8 : i32
      %scan3A_45 = arith.addi %scan3A, %scan3A_44 : i32
      %scan3A_46 = arith.constant 1 : i32
      scf.for %scan3A_48 = %scan3A to %scan3A_45 step %scan3A_46  : i32 {
        %mul3A_49 = arith.constant 2 : i32
        %mul3A_50 = arith.muli %scan3A_48, %mul3A_49 : i32
        %add3A_51 = arith.constant 0 : i32
        %add3A_52 = arith.addi %add3A_51, %mul3A_50 : i32
        %add3A_53 = arith.constant 1 : i32
        %add3A_54 = arith.addi %add3A_52, %add3A_53 : i32
        %dma_start3A_55 = arith.constant 0 : i32
        %dma_start3A_56 = tpu.memref_slice %arg7[%add3A_54, %dma_start3A_55] : memref<16x128xi32, #tpu.memory_space<vmem>> -> memref<1x128xi32, #tpu.memory_space<vmem>>
        %dma_start3A_57 = tpu.memref_squeeze %dma_start3A_56 : memref<1x128xi32, #tpu.memory_space<vmem>> -> memref<128xi32, #tpu.memory_space<vmem>>
        %dma_start3A_58 = arith.constant 0 : i32
        %dma_start3A_59 = arith.constant 0 : i32
        %dma_start3A_60 = tpu.memref_slice %arg2[%arg0, %dma_start3A_58, %dma_start3A_59] : memref<2x10112x128xf32, #tpu.memory_space<hbm>> -> memref<1x10112x128xf32, #tpu.memory_space<hbm>>
        %dma_start3A_61 = tpu.memref_squeeze %dma_start3A_60 : memref<1x10112x128xf32, #tpu.memory_space<hbm>> -> memref<10112x128xf32, #tpu.memory_space<hbm>>
        %dma_start3A_62 = arith.constant 0 : i32
        %dma_start3A_63 = arith.constant 0 : i32
        %dma_start3A_64 = tpu.memref_slice %dma_start3A_61[%dma_start3A_62, %dma_start3A_63] : memref<10112x128xf32, #tpu.memory_space<hbm>> -> memref<10112x128xf32, #tpu.memory_space<hbm>>
        tpu.enqueue_indirect_dma source(%dma_start3A_64 : memref<10112x128xf32, #tpu.memory_space<hbm>>) target(%arg10 : memref<128x128xf32, #tpu.memory_space<vmem>>) offsets(%dma_start3A_57 : memref<128xi32, #tpu.memory_space<vmem>>) semaphore(%arg13 : memref<!tpu.dma_semaphore, #tpu.memory_space<semaphore_mem>>)
        %dma_wait3A = arith.constant 0 : i32
        %dma_wait3A_65 = tpu.memref_slice %arg7[%add3A_52, %dma_wait3A] : memref<16x128xi32, #tpu.memory_space<vmem>> -> memref<1x128xi32, #tpu.memory_space<vmem>>
        %dma_wait3A_66 = tpu.memref_squeeze %dma_wait3A_65 : memref<1x128xi32, #tpu.memory_space<vmem>> -> memref<128xi32, #tpu.memory_space<vmem>>
        %dma_wait3A_67 = arith.constant 0 : i32
        %dma_wait3A_68 = arith.constant 0 : i32
        %dma_wait3A_69 = tpu.memref_slice %arg2[%arg0, %dma_wait3A_67, %dma_wait3A_68] : memref<2x10112x128xf32, #tpu.memory_space<hbm>> -> memref<1x10112x128xf32, #tpu.memory_space<hbm>>
        %dma_wait3A_70 = tpu.memref_squeeze %dma_wait3A_69 : memref<1x10112x128xf32, #tpu.memory_space<hbm>> -> memref<10112x128xf32, #tpu.memory_space<hbm>>
        %dma_wait3A_71 = arith.constant 0 : i32
        %dma_wait3A_72 = arith.constant 0 : i32
        %dma_wait3A_73 = tpu.memref_slice %dma_wait3A_70[%dma_wait3A_71, %dma_wait3A_72] : memref<10112x128xf32, #tpu.memory_space<hbm>> -> memref<10112x128xf32, #tpu.memory_space<hbm>>
        tpu.wait_indirect_dma semaphore(%arg12 : memref<!tpu.dma_semaphore, #tpu.memory_space<semaphore_mem>>) src(%dma_wait3A_73 : memref<10112x128xf32, #tpu.memory_space<hbm>>) dst(%arg9 : memref<128x128xf32, #tpu.memory_space<vmem>>)
        "tpu.region"() ({
          %run_scoped3A = tpu.sem_alloc : memref<!tpu.dma_semaphore, #tpu.memory_space<semaphore_mem>>
          %dma_start3A_92 = arith.constant 0 : i32
          %dma_start3A_93 = tpu.memref_slice %arg8[%add3A_52, %dma_start3A_92] : memref<16x128xi32, #tpu.memory_space<vmem>> -> memref<1x128xi32, #tpu.memory_space<vmem>>
          %dma_start3A_94 = tpu.memref_squeeze %dma_start3A_93 : memref<1x128xi32, #tpu.memory_space<vmem>> -> memref<128xi32, #tpu.memory_space<vmem>>
          %dma_start3A_95 = arith.constant 0 : i32
          %dma_start3A_96 = arith.constant 0 : i32
          %dma_start3A_97 = tpu.memref_slice %arg11[%dma_start3A_95, %dma_start3A_96] : memref<10112x128xf32, #tpu.memory_space<vmem_shared>> -> memref<10112x128xf32, #tpu.memory_space<vmem_shared>>
          tpu.enqueue_indirect_dma source(%arg9 : memref<128x128xf32, #tpu.memory_space<vmem>>) target(%dma_start3A_97 : memref<10112x128xf32, #tpu.memory_space<vmem_shared>>) offsets(%dma_start3A_94 : memref<128xi32, #tpu.memory_space<vmem>>) semaphore(%run_scoped3A : memref<!tpu.dma_semaphore, #tpu.memory_space<semaphore_mem>>) {add = true}
          %dma_wait3A_98 = arith.constant 0 : i32
          %dma_wait3A_99 = tpu.memref_slice %arg8[%add3A_52, %dma_wait3A_98] : memref<16x128xi32, #tpu.memory_space<vmem>> -> memref<1x128xi32, #tpu.memory_space<vmem>>
          %dma_wait3A_100 = tpu.memref_squeeze %dma_wait3A_99 : memref<1x128xi32, #tpu.memory_space<vmem>> -> memref<128xi32, #tpu.memory_space<vmem>>
          %dma_wait3A_101 = arith.constant 0 : i32
          %dma_wait3A_102 = arith.constant 0 : i32
          %dma_wait3A_103 = tpu.memref_slice %arg11[%dma_wait3A_101, %dma_wait3A_102] : memref<10112x128xf32, #tpu.memory_space<vmem_shared>> -> memref<10112x128xf32, #tpu.memory_space<vmem_shared>>
          tpu.wait_indirect_dma semaphore(%run_scoped3A : memref<!tpu.dma_semaphore, #tpu.memory_space<semaphore_mem>>) src(%arg9 : memref<128x128xf32, #tpu.memory_space<vmem>>) dst(%dma_wait3A_103 : memref<10112x128xf32, #tpu.memory_space<vmem_shared>>)
          tpu.yield
        }) : () -> ()
        %add3A_74 = arith.constant 2 : i32
        %add3A_75 = arith.addi %add3A_52, %add3A_74 : i32
        %lt3A = arith.constant 16 : i32
        %lt3A_76 = arith.cmpi slt, %add3A_75, %lt3A : i32
        %convert_element_type3A = arith.extui %lt3A_76 : i1 to i32
        %cond3A = arith.constant 0 : i32
        %cond3A_77 = arith.cmpi ne, %convert_element_type3A, %cond3A : i32
        scf.if %cond3A_77 {
          %add3A_92 = arith.constant 2 : i32
          %add3A_93 = arith.addi %add3A_52, %add3A_92 : i32
          %dma_start3A_94 = arith.constant 0 : i32
          %dma_start3A_95 = tpu.memref_slice %arg7[%add3A_93, %dma_start3A_94] : memref<16x128xi32, #tpu.memory_space<vmem>> -> memref<1x128xi32, #tpu.memory_space<vmem>>
          %dma_start3A_96 = tpu.memref_squeeze %dma_start3A_95 : memref<1x128xi32, #tpu.memory_space<vmem>> -> memref<128xi32, #tpu.memory_space<vmem>>
          %dma_start3A_97 = arith.constant 0 : i32
          %dma_start3A_98 = arith.constant 0 : i32
          %dma_start3A_99 = tpu.memref_slice %arg2[%arg0, %dma_start3A_97, %dma_start3A_98] : memref<2x10112x128xf32, #tpu.memory_space<hbm>> -> memref<1x10112x128xf32, #tpu.memory_space<hbm>>
          %dma_start3A_100 = tpu.memref_squeeze %dma_start3A_99 : memref<1x10112x128xf32, #tpu.memory_space<hbm>> -> memref<10112x128xf32, #tpu.memory_space<hbm>>
          %dma_start3A_101 = arith.constant 0 : i32
          %dma_start3A_102 = arith.constant 0 : i32
          %dma_start3A_103 = tpu.memref_slice %dma_start3A_100[%dma_start3A_101, %dma_start3A_102] : memref<10112x128xf32, #tpu.memory_space<hbm>> -> memref<10112x128xf32, #tpu.memory_space<hbm>>
          tpu.enqueue_indirect_dma source(%dma_start3A_103 : memref<10112x128xf32, #tpu.memory_space<hbm>>) target(%arg9 : memref<128x128xf32, #tpu.memory_space<vmem>>) offsets(%dma_start3A_96 : memref<128xi32, #tpu.memory_space<vmem>>) semaphore(%arg12 : memref<!tpu.dma_semaphore, #tpu.memory_space<semaphore_mem>>)
        } else {
        }
        %add3A_78 = arith.constant 1 : i32
        %add3A_79 = arith.addi %add3A_52, %add3A_78 : i32
        %dma_wait3A_80 = arith.constant 0 : i32
        %dma_wait3A_81 = tpu.memref_slice %arg7[%add3A_79, %dma_wait3A_80] : memref<16x128xi32, #tpu.memory_space<vmem>> -> memref<1x128xi32, #tpu.memory_space<vmem>>
        %dma_wait3A_82 = tpu.memref_squeeze %dma_wait3A_81 : memref<1x128xi32, #tpu.memory_space<vmem>> -> memref<128xi32, #tpu.memory_space<vmem>>
        %dma_wait3A_83 = arith.constant 0 : i32
        %dma_wait3A_84 = arith.constant 0 : i32
        %dma_wait3A_85 = tpu.memref_slice %arg2[%arg0, %dma_wait3A_83, %dma_wait3A_84] : memref<2x10112x128xf32, #tpu.memory_space<hbm>> -> memref<1x10112x128xf32, #tpu.memory_space<hbm>>
        %dma_wait3A_86 = tpu.memref_squeeze %dma_wait3A_85 : memref<1x10112x128xf32, #tpu.memory_space<hbm>> -> memref<10112x128xf32, #tpu.memory_space<hbm>>
        %dma_wait3A_87 = arith.constant 0 : i32
        %dma_wait3A_88 = arith.constant 0 : i32
        %dma_wait3A_89 = tpu.memref_slice %dma_wait3A_86[%dma_wait3A_87, %dma_wait3A_88] : memref<10112x128xf32, #tpu.memory_space<hbm>> -> memref<10112x128xf32, #tpu.memory_space<hbm>>
        tpu.wait_indirect_dma semaphore(%arg13 : memref<!tpu.dma_semaphore, #tpu.memory_space<semaphore_mem>>) src(%dma_wait3A_89 : memref<10112x128xf32, #tpu.memory_space<hbm>>) dst(%arg10 : memref<128x128xf32, #tpu.memory_space<vmem>>)
        %add3A_90 = arith.constant 1 : i32
        %add3A_91 = arith.addi %add3A_52, %add3A_90 : i32
        "tpu.region"() ({
          %run_scoped3A = tpu.sem_alloc : memref<!tpu.dma_semaphore, #tpu.memory_space<semaphore_mem>>
          %dma_start3A_92 = arith.constant 0 : i32
          %dma_start3A_93 = tpu.memref_slice %arg8[%add3A_91, %dma_start3A_92] : memref<16x128xi32, #tpu.memory_space<vmem>> -> memref<1x128xi32, #tpu.memory_space<vmem>>
          %dma_start3A_94 = tpu.memref_squeeze %dma_start3A_93 : memref<1x128xi32, #tpu.memory_space<vmem>> -> memref<128xi32, #tpu.memory_space<vmem>>
          %dma_start3A_95 = arith.constant 0 : i32
          %dma_start3A_96 = arith.constant 0 : i32
          %dma_start3A_97 = tpu.memref_slice %arg11[%dma_start3A_95, %dma_start3A_96] : memref<10112x128xf32, #tpu.memory_space<vmem_shared>> -> memref<10112x128xf32, #tpu.memory_space<vmem_shared>>
          tpu.enqueue_indirect_dma source(%arg10 : memref<128x128xf32, #tpu.memory_space<vmem>>) target(%dma_start3A_97 : memref<10112x128xf32, #tpu.memory_space<vmem_shared>>) offsets(%dma_start3A_94 : memref<128xi32, #tpu.memory_space<vmem>>) semaphore(%run_scoped3A : memref<!tpu.dma_semaphore, #tpu.memory_space<semaphore_mem>>) {add = true}
          %dma_wait3A_98 = arith.constant 0 : i32
          %dma_wait3A_99 = tpu.memref_slice %arg8[%add3A_91, %dma_wait3A_98] : memref<16x128xi32, #tpu.memory_space<vmem>> -> memref<1x128xi32, #tpu.memory_space<vmem>>
          %dma_wait3A_100 = tpu.memref_squeeze %dma_wait3A_99 : memref<1x128xi32, #tpu.memory_space<vmem>> -> memref<128xi32, #tpu.memory_space<vmem>>
          %dma_wait3A_101 = arith.constant 0 : i32
          %dma_wait3A_102 = arith.constant 0 : i32
          %dma_wait3A_103 = tpu.memref_slice %arg11[%dma_wait3A_101, %dma_wait3A_102] : memref<10112x128xf32, #tpu.memory_space<vmem_shared>> -> memref<10112x128xf32, #tpu.memory_space<vmem_shared>>
          tpu.wait_indirect_dma semaphore(%run_scoped3A : memref<!tpu.dma_semaphore, #tpu.memory_space<semaphore_mem>>) src(%arg10 : memref<128x128xf32, #tpu.memory_space<vmem>>) dst(%dma_wait3A_103 : memref<10112x128xf32, #tpu.memory_space<vmem_shared>>)
          tpu.yield
        }) : () -> ()
      }
      %scan3A_47 = arith.constant 8 : i32
    }
    %while3A_26 = arith.constant 1 : i32
    scf.for %while3A_28 = %while3A_24 to %while3A_20 step %while3A_26  : i32 {
      %mul3A_29 = arith.muli %while3A_28, %while3A : i32
      %add3A_30 = arith.addi %while3A_17, %mul3A_29 : i32
      %mul3A_31 = arith.constant 16 : i32
      %mul3A_32 = arith.muli %add3A_30, %mul3A_31 : i32
      %add3A_33 = arith.addi %select_n3A, %mul3A_32 : i32
      "tpu.region"() ({
        %run_scoped3A = tpu.sem_alloc : memref<!tpu.dma_semaphore, #tpu.memory_space<semaphore_mem>>
        %dma_start3A_48 = arith.constant 0 : i32
        %dma_start3A_49 = tpu.memref_slice %arg3[%add3A_33, %dma_start3A_48] : memref<2560x128xi32, #tpu.memory_space<hbm>> -> memref<16x128xi32, #tpu.memory_space<hbm>>
        %dma_start3A_50 = arith.constant 0 : i32
        %dma_start3A_51 = tpu.memref_slice %arg3[%add3A_33, %dma_start3A_50] : memref<2560x128xi32, #tpu.memory_space<hbm>> -> memref<16x128xi32, #tpu.memory_space<hbm>>
        tpu.enqueue_dma source(%dma_start3A_51 : memref<16x128xi32, #tpu.memory_space<hbm>>) target(%arg7 : memref<16x128xi32, #tpu.memory_space<vmem>>) target_semaphore(%run_scoped3A : memref<!tpu.dma_semaphore, #tpu.memory_space<semaphore_mem>>)
        %dma_wait3A = arith.constant 0 : i32
        %dma_wait3A_52 = tpu.memref_slice %arg3[%add3A_33, %dma_wait3A] : memref<2560x128xi32, #tpu.memory_space<hbm>> -> memref<16x128xi32, #tpu.memory_space<hbm>>
        %dma_wait3A_53 = arith.constant 0 : i32
        %dma_wait3A_54 = tpu.memref_slice %arg3[%add3A_33, %dma_wait3A_53] : memref<2560x128xi32, #tpu.memory_space<hbm>> -> memref<16x128xi32, #tpu.memory_space<hbm>>
        tpu.wait_dma2 semaphore(%run_scoped3A : memref<!tpu.dma_semaphore, #tpu.memory_space<semaphore_mem>>) src(%dma_wait3A_54 : memref<16x128xi32, #tpu.memory_space<hbm>>) dst(%arg7 : memref<16x128xi32, #tpu.memory_space<vmem>>)
        tpu.yield
      }) : () -> ()
      "tpu.region"() ({
        %run_scoped3A = tpu.sem_alloc : memref<!tpu.dma_semaphore, #tpu.memory_space<semaphore_mem>>
        %dma_start3A_48 = arith.constant 0 : i32
        %dma_start3A_49 = tpu.memref_slice %arg4[%add3A_33, %dma_start3A_48] : memref<2560x128xi32, #tpu.memory_space<hbm>> -> memref<16x128xi32, #tpu.memory_space<hbm>>
        %dma_start3A_50 = arith.constant 0 : i32
        %dma_start3A_51 = tpu.memref_slice %arg4[%add3A_33, %dma_start3A_50] : memref<2560x128xi32, #tpu.memory_space<hbm>> -> memref<16x128xi32, #tpu.memory_space<hbm>>
        tpu.enqueue_dma source(%dma_start3A_51 : memref<16x128xi32, #tpu.memory_space<hbm>>) target(%arg8 : memref<16x128xi32, #tpu.memory_space<vmem>>) target_semaphore(%run_scoped3A : memref<!tpu.dma_semaphore, #tpu.memory_space<semaphore_mem>>)
        %dma_wait3A = arith.constant 0 : i32
        %dma_wait3A_52 = tpu.memref_slice %arg4[%add3A_33, %dma_wait3A] : memref<2560x128xi32, #tpu.memory_space<hbm>> -> memref<16x128xi32, #tpu.memory_space<hbm>>
        %dma_wait3A_53 = arith.constant 0 : i32
        %dma_wait3A_54 = tpu.memref_slice %arg4[%add3A_33, %dma_wait3A_53] : memref<2560x128xi32, #tpu.memory_space<hbm>> -> memref<16x128xi32, #tpu.memory_space<hbm>>
        tpu.wait_dma2 semaphore(%run_scoped3A : memref<!tpu.dma_semaphore, #tpu.memory_space<semaphore_mem>>) src(%dma_wait3A_54 : memref<16x128xi32, #tpu.memory_space<hbm>>) dst(%arg8 : memref<16x128xi32, #tpu.memory_space<vmem>>)
        tpu.yield
      }) : () -> ()
      %dma_start3A = arith.constant 0 : i32
      %dma_start3A_34 = arith.constant 0 : i32
      %dma_start3A_35 = tpu.memref_slice %arg7[%dma_start3A, %dma_start3A_34] : memref<16x128xi32, #tpu.memory_space<vmem>> -> memref<1x128xi32, #tpu.memory_space<vmem>>
      %dma_start3A_36 = tpu.memref_squeeze %dma_start3A_35 : memref<1x128xi32, #tpu.memory_space<vmem>> -> memref<128xi32, #tpu.memory_space<vmem>>
      %dma_start3A_37 = arith.constant 0 : i32
      %dma_start3A_38 = arith.constant 0 : i32
      %dma_start3A_39 = tpu.memref_slice %arg2[%arg0, %dma_start3A_37, %dma_start3A_38] : memref<2x10112x128xf32, #tpu.memory_space<hbm>> -> memref<1x10112x128xf32, #tpu.memory_space<hbm>>
      %dma_start3A_40 = tpu.memref_squeeze %dma_start3A_39 : memref<1x10112x128xf32, #tpu.memory_space<hbm>> -> memref<10112x128xf32, #tpu.memory_space<hbm>>
      %dma_start3A_41 = arith.constant 0 : i32
      %dma_start3A_42 = arith.constant 0 : i32
      %dma_start3A_43 = tpu.memref_slice %dma_start3A_40[%dma_start3A_41, %dma_start3A_42] : memref<10112x128xf32, #tpu.memory_space<hbm>> -> memref<10112x128xf32, #tpu.memory_space<hbm>>
      tpu.enqueue_indirect_dma source(%dma_start3A_43 : memref<10112x128xf32, #tpu.memory_space<hbm>>) target(%arg9 : memref<128x128xf32, #tpu.memory_space<vmem>>) offsets(%dma_start3A_36 : memref<128xi32, #tpu.memory_space<vmem>>) semaphore(%arg12 : memref<!tpu.dma_semaphore, #tpu.memory_space<semaphore_mem>>)
      %scan3A = arith.constant 0 : i32
      %scan3A_44 = arith.constant 8 : i32
      %scan3A_45 = arith.addi %scan3A, %scan3A_44 : i32
      %scan3A_46 = arith.constant 1 : i32
      scf.for %scan3A_48 = %scan3A to %scan3A_45 step %scan3A_46  : i32 {
        %mul3A_49 = arith.constant 2 : i32
        %mul3A_50 = arith.muli %scan3A_48, %mul3A_49 : i32
        %add3A_51 = arith.constant 0 : i32
        %add3A_52 = arith.addi %add3A_51, %mul3A_50 : i32
        %add3A_53 = arith.constant 1 : i32
        %add3A_54 = arith.addi %add3A_52, %add3A_53 : i32
        %dma_start3A_55 = arith.constant 0 : i32
        %dma_start3A_56 = tpu.memref_slice %arg7[%add3A_54, %dma_start3A_55] : memref<16x128xi32, #tpu.memory_space<vmem>> -> memref<1x128xi32, #tpu.memory_space<vmem>>
        %dma_start3A_57 = tpu.memref_squeeze %dma_start3A_56 : memref<1x128xi32, #tpu.memory_space<vmem>> -> memref<128xi32, #tpu.memory_space<vmem>>
        %dma_start3A_58 = arith.constant 0 : i32
        %dma_start3A_59 = arith.constant 0 : i32
        %dma_start3A_60 = tpu.memref_slice %arg2[%arg0, %dma_start3A_58, %dma_start3A_59] : memref<2x10112x128xf32, #tpu.memory_space<hbm>> -> memref<1x10112x128xf32, #tpu.memory_space<hbm>>
        %dma_start3A_61 = tpu.memref_squeeze %dma_start3A_60 : memref<1x10112x128xf32, #tpu.memory_space<hbm>> -> memref<10112x128xf32, #tpu.memory_space<hbm>>
        %dma_start3A_62 = arith.constant 0 : i32
        %dma_start3A_63 = arith.constant 0 : i32
        %dma_start3A_64 = tpu.memref_slice %dma_start3A_61[%dma_start3A_62, %dma_start3A_63] : memref<10112x128xf32, #tpu.memory_space<hbm>> -> memref<10112x128xf32, #tpu.memory_space<hbm>>
        tpu.enqueue_indirect_dma source(%dma_start3A_64 : memref<10112x128xf32, #tpu.memory_space<hbm>>) target(%arg10 : memref<128x128xf32, #tpu.memory_space<vmem>>) offsets(%dma_start3A_57 : memref<128xi32, #tpu.memory_space<vmem>>) semaphore(%arg13 : memref<!tpu.dma_semaphore, #tpu.memory_space<semaphore_mem>>)
        %dma_wait3A = arith.constant 0 : i32
        %dma_wait3A_65 = tpu.memref_slice %arg7[%add3A_52, %dma_wait3A] : memref<16x128xi32, #tpu.memory_space<vmem>> -> memref<1x128xi32, #tpu.memory_space<vmem>>
        %dma_wait3A_66 = tpu.memref_squeeze %dma_wait3A_65 : memref<1x128xi32, #tpu.memory_space<vmem>> -> memref<128xi32, #tpu.memory_space<vmem>>
        %dma_wait3A_67 = arith.constant 0 : i32
        %dma_wait3A_68 = arith.constant 0 : i32
        %dma_wait3A_69 = tpu.memref_slice %arg2[%arg0, %dma_wait3A_67, %dma_wait3A_68] : memref<2x10112x128xf32, #tpu.memory_space<hbm>> -> memref<1x10112x128xf32, #tpu.memory_space<hbm>>
        %dma_wait3A_70 = tpu.memref_squeeze %dma_wait3A_69 : memref<1x10112x128xf32, #tpu.memory_space<hbm>> -> memref<10112x128xf32, #tpu.memory_space<hbm>>
        %dma_wait3A_71 = arith.constant 0 : i32
        %dma_wait3A_72 = arith.constant 0 : i32
        %dma_wait3A_73 = tpu.memref_slice %dma_wait3A_70[%dma_wait3A_71, %dma_wait3A_72] : memref<10112x128xf32, #tpu.memory_space<hbm>> -> memref<10112x128xf32, #tpu.memory_space<hbm>>
        tpu.wait_indirect_dma semaphore(%arg12 : memref<!tpu.dma_semaphore, #tpu.memory_space<semaphore_mem>>) src(%dma_wait3A_73 : memref<10112x128xf32, #tpu.memory_space<hbm>>) dst(%arg9 : memref<128x128xf32, #tpu.memory_space<vmem>>)
        "tpu.region"() ({
          %run_scoped3A = tpu.sem_alloc : memref<!tpu.dma_semaphore, #tpu.memory_space<semaphore_mem>>
          %dma_start3A_92 = arith.constant 0 : i32
          %dma_start3A_93 = tpu.memref_slice %arg8[%add3A_52, %dma_start3A_92] : memref<16x128xi32, #tpu.memory_space<vmem>> -> memref<1x128xi32, #tpu.memory_space<vmem>>
          %dma_start3A_94 = tpu.memref_squeeze %dma_start3A_93 : memref<1x128xi32, #tpu.memory_space<vmem>> -> memref<128xi32, #tpu.memory_space<vmem>>
          %dma_start3A_95 = arith.constant 0 : i32
          %dma_start3A_96 = arith.constant 0 : i32
          %dma_start3A_97 = tpu.memref_slice %arg11[%dma_start3A_95, %dma_start3A_96] : memref<10112x128xf32, #tpu.memory_space<vmem_shared>> -> memref<10112x128xf32, #tpu.memory_space<vmem_shared>>
          tpu.enqueue_indirect_dma source(%arg9 : memref<128x128xf32, #tpu.memory_space<vmem>>) target(%dma_start3A_97 : memref<10112x128xf32, #tpu.memory_space<vmem_shared>>) offsets(%dma_start3A_94 : memref<128xi32, #tpu.memory_space<vmem>>) semaphore(%run_scoped3A : memref<!tpu.dma_semaphore, #tpu.memory_space<semaphore_mem>>) {add = true}
          %dma_wait3A_98 = arith.constant 0 : i32
          %dma_wait3A_99 = tpu.memref_slice %arg8[%add3A_52, %dma_wait3A_98] : memref<16x128xi32, #tpu.memory_space<vmem>> -> memref<1x128xi32, #tpu.memory_space<vmem>>
          %dma_wait3A_100 = tpu.memref_squeeze %dma_wait3A_99 : memref<1x128xi32, #tpu.memory_space<vmem>> -> memref<128xi32, #tpu.memory_space<vmem>>
          %dma_wait3A_101 = arith.constant 0 : i32
          %dma_wait3A_102 = arith.constant 0 : i32
          %dma_wait3A_103 = tpu.memref_slice %arg11[%dma_wait3A_101, %dma_wait3A_102] : memref<10112x128xf32, #tpu.memory_space<vmem_shared>> -> memref<10112x128xf32, #tpu.memory_space<vmem_shared>>
          tpu.wait_indirect_dma semaphore(%run_scoped3A : memref<!tpu.dma_semaphore, #tpu.memory_space<semaphore_mem>>) src(%arg9 : memref<128x128xf32, #tpu.memory_space<vmem>>) dst(%dma_wait3A_103 : memref<10112x128xf32, #tpu.memory_space<vmem_shared>>)
          tpu.yield
        }) : () -> ()
        %add3A_74 = arith.constant 2 : i32
        %add3A_75 = arith.addi %add3A_52, %add3A_74 : i32
        %lt3A = arith.constant 16 : i32
        %lt3A_76 = arith.cmpi slt, %add3A_75, %lt3A : i32
        %convert_element_type3A = arith.extui %lt3A_76 : i1 to i32
        %cond3A = arith.constant 0 : i32
        %cond3A_77 = arith.cmpi ne, %convert_element_type3A, %cond3A : i32
        scf.if %cond3A_77 {
          %add3A_92 = arith.constant 2 : i32
          %add3A_93 = arith.addi %add3A_52, %add3A_92 : i32
          %dma_start3A_94 = arith.constant 0 : i32
          %dma_start3A_95 = tpu.memref_slice %arg7[%add3A_93, %dma_start3A_94] : memref<16x128xi32, #tpu.memory_space<vmem>> -> memref<1x128xi32, #tpu.memory_space<vmem>>
          %dma_start3A_96 = tpu.memref_squeeze %dma_start3A_95 : memref<1x128xi32, #tpu.memory_space<vmem>> -> memref<128xi32, #tpu.memory_space<vmem>>
          %dma_start3A_97 = arith.constant 0 : i32
          %dma_start3A_98 = arith.constant 0 : i32
          %dma_start3A_99 = tpu.memref_slice %arg2[%arg0, %dma_start3A_97, %dma_start3A_98] : memref<2x10112x128xf32, #tpu.memory_space<hbm>> -> memref<1x10112x128xf32, #tpu.memory_space<hbm>>
          %dma_start3A_100 = tpu.memref_squeeze %dma_start3A_99 : memref<1x10112x128xf32, #tpu.memory_space<hbm>> -> memref<10112x128xf32, #tpu.memory_space<hbm>>
          %dma_start3A_101 = arith.constant 0 : i32
          %dma_start3A_102 = arith.constant 0 : i32
          %dma_start3A_103 = tpu.memref_slice %dma_start3A_100[%dma_start3A_101, %dma_start3A_102] : memref<10112x128xf32, #tpu.memory_space<hbm>> -> memref<10112x128xf32, #tpu.memory_space<hbm>>
          tpu.enqueue_indirect_dma source(%dma_start3A_103 : memref<10112x128xf32, #tpu.memory_space<hbm>>) target(%arg9 : memref<128x128xf32, #tpu.memory_space<vmem>>) offsets(%dma_start3A_96 : memref<128xi32, #tpu.memory_space<vmem>>) semaphore(%arg12 : memref<!tpu.dma_semaphore, #tpu.memory_space<semaphore_mem>>)
        } else {
        }
        %add3A_78 = arith.constant 1 : i32
        %add3A_79 = arith.addi %add3A_52, %add3A_78 : i32
        %dma_wait3A_80 = arith.constant 0 : i32
        %dma_wait3A_81 = tpu.memref_slice %arg7[%add3A_79, %dma_wait3A_80] : memref<16x128xi32, #tpu.memory_space<vmem>> -> memref<1x128xi32, #tpu.memory_space<vmem>>
        %dma_wait3A_82 = tpu.memref_squeeze %dma_wait3A_81 : memref<1x128xi32, #tpu.memory_space<vmem>> -> memref<128xi32, #tpu.memory_space<vmem>>
        %dma_wait3A_83 = arith.constant 0 : i32
        %dma_wait3A_84 = arith.constant 0 : i32
        %dma_wait3A_85 = tpu.memref_slice %arg2[%arg0, %dma_wait3A_83, %dma_wait3A_84] : memref<2x10112x128xf32, #tpu.memory_space<hbm>> -> memref<1x10112x128xf32, #tpu.memory_space<hbm>>
        %dma_wait3A_86 = tpu.memref_squeeze %dma_wait3A_85 : memref<1x10112x128xf32, #tpu.memory_space<hbm>> -> memref<10112x128xf32, #tpu.memory_space<hbm>>
        %dma_wait3A_87 = arith.constant 0 : i32
        %dma_wait3A_88 = arith.constant 0 : i32
        %dma_wait3A_89 = tpu.memref_slice %dma_wait3A_86[%dma_wait3A_87, %dma_wait3A_88] : memref<10112x128xf32, #tpu.memory_space<hbm>> -> memref<10112x128xf32, #tpu.memory_space<hbm>>
        tpu.wait_indirect_dma semaphore(%arg13 : memref<!tpu.dma_semaphore, #tpu.memory_space<semaphore_mem>>) src(%dma_wait3A_89 : memref<10112x128xf32, #tpu.memory_space<hbm>>) dst(%arg10 : memref<128x128xf32, #tpu.memory_space<vmem>>)
        %add3A_90 = arith.constant 1 : i32
        %add3A_91 = arith.addi %add3A_52, %add3A_90 : i32
        "tpu.region"() ({
          %run_scoped3A = tpu.sem_alloc : memref<!tpu.dma_semaphore, #tpu.memory_space<semaphore_mem>>
          %dma_start3A_92 = arith.constant 0 : i32
          %dma_start3A_93 = tpu.memref_slice %arg8[%add3A_91, %dma_start3A_92] : memref<16x128xi32, #tpu.memory_space<vmem>> -> memref<1x128xi32, #tpu.memory_space<vmem>>
          %dma_start3A_94 = tpu.memref_squeeze %dma_start3A_93 : memref<1x128xi32, #tpu.memory_space<vmem>> -> memref<128xi32, #tpu.memory_space<vmem>>
          %dma_start3A_95 = arith.constant 0 : i32
          %dma_start3A_96 = arith.constant 0 : i32
          %dma_start3A_97 = tpu.memref_slice %arg11[%dma_start3A_95, %dma_start3A_96] : memref<10112x128xf32, #tpu.memory_space<vmem_shared>> -> memref<10112x128xf32, #tpu.memory_space<vmem_shared>>
          tpu.enqueue_indirect_dma source(%arg10 : memref<128x128xf32, #tpu.memory_space<vmem>>) target(%dma_start3A_97 : memref<10112x128xf32, #tpu.memory_space<vmem_shared>>) offsets(%dma_start3A_94 : memref<128xi32, #tpu.memory_space<vmem>>) semaphore(%run_scoped3A : memref<!tpu.dma_semaphore, #tpu.memory_space<semaphore_mem>>) {add = true}
          %dma_wait3A_98 = arith.constant 0 : i32
          %dma_wait3A_99 = tpu.memref_slice %arg8[%add3A_91, %dma_wait3A_98] : memref<16x128xi32, #tpu.memory_space<vmem>> -> memref<1x128xi32, #tpu.memory_space<vmem>>
          %dma_wait3A_100 = tpu.memref_squeeze %dma_wait3A_99 : memref<1x128xi32, #tpu.memory_space<vmem>> -> memref<128xi32, #tpu.memory_space<vmem>>
          %dma_wait3A_101 = arith.constant 0 : i32
          %dma_wait3A_102 = arith.constant 0 : i32
          %dma_wait3A_103 = tpu.memref_slice %arg11[%dma_wait3A_101, %dma_wait3A_102] : memref<10112x128xf32, #tpu.memory_space<vmem_shared>> -> memref<10112x128xf32, #tpu.memory_space<vmem_shared>>
          tpu.wait_indirect_dma semaphore(%run_scoped3A : memref<!tpu.dma_semaphore, #tpu.memory_space<semaphore_mem>>) src(%arg10 : memref<128x128xf32, #tpu.memory_space<vmem>>) dst(%dma_wait3A_103 : memref<10112x128xf32, #tpu.memory_space<vmem_shared>>)
          tpu.yield
        }) : () -> ()
      }
      %scan3A_47 = arith.constant 8 : i32
    }
    %barrier3A_27 = arith.constant 0 : index
    tpu.barrier barrier_id(%barrier3A_27)
    "tpu.region"() ({
      %run_scoped3A = tpu.sem_alloc : memref<!tpu.dma_semaphore, #tpu.memory_space<semaphore_mem>>
      %dma_start3A = arith.constant 0 : i32
      %dma_start3A_28 = tpu.memref_slice %arg6[%arg0, %mul3A_0, %dma_start3A] : memref<2x10112x128xf32, #tpu.memory_space<hbm>> -> memref<1x632x128xf32, #tpu.memory_space<hbm>>
      %dma_start3A_29 = tpu.memref_squeeze %dma_start3A_28 : memref<1x632x128xf32, #tpu.memory_space<hbm>> -> memref<632x128xf32, #tpu.memory_space<hbm>>
      %dma_start3A_30 = arith.constant 0 : i32
      %dma_start3A_31 = tpu.memref_slice %arg11[%mul3A_0, %dma_start3A_30] : memref<10112x128xf32, #tpu.memory_space<vmem_shared>> -> memref<632x128xf32, #tpu.memory_space<vmem_shared>>
      tpu.enqueue_dma source(%dma_start3A_31 : memref<632x128xf32, #tpu.memory_space<vmem_shared>>) target(%dma_start3A_29 : memref<632x128xf32, #tpu.memory_space<hbm>>) target_semaphore(%run_scoped3A : memref<!tpu.dma_semaphore, #tpu.memory_space<semaphore_mem>>)
      %dma_wait3A = arith.constant 0 : i32
      %dma_wait3A_32 = tpu.memref_slice %arg6[%arg0, %mul3A_0, %dma_wait3A] : memref<2x10112x128xf32, #tpu.memory_space<hbm>> -> memref<1x632x128xf32, #tpu.memory_space<hbm>>
      %dma_wait3A_33 = tpu.memref_squeeze %dma_wait3A_32 : memref<1x632x128xf32, #tpu.memory_space<hbm>> -> memref<632x128xf32, #tpu.memory_space<hbm>>
      %dma_wait3A_34 = arith.constant 0 : i32
      %dma_wait3A_35 = tpu.memref_slice %arg11[%mul3A_0, %dma_wait3A_34] : memref<10112x128xf32, #tpu.memory_space<vmem_shared>> -> memref<632x128xf32, #tpu.memory_space<vmem_shared>>
      tpu.wait_dma2 semaphore(%run_scoped3A : memref<!tpu.dma_semaphore, #tpu.memory_space<semaphore_mem>>) src(%dma_wait3A_35 : memref<632x128xf32, #tpu.memory_space<vmem_shared>>) dst(%dma_wait3A_33 : memref<632x128xf32, #tpu.memory_space<hbm>>)
      tpu.yield
    }) : () -> ()
    return
  }
}

#map = affine_map<(d0, d1) -> (0, 0, 0)>
#map1 = affine_map<(d0, d1) -> (0, 0)>
module attributes {stable_mosaic.version = 14 : i64} {
  func.func @segsum(%arg0: i32, %arg1: i32, %arg2: memref<2x10112x128xf32, #tpu.memory_space<hbm>>, %arg3: memref<2560x128xi32, #tpu.memory_space<hbm>>, %arg4: memref<2560x128xi32, #tpu.memory_space<hbm>>, %arg5: memref<10112x128xf32, #tpu.memory_space<hbm>>, %arg6: memref<2x10112x128xf32, #tpu.memory_space<hbm>>, %arg7: memref<16x128xi32, #tpu.memory_space<vmem>>, %arg8: memref<16x128xi32, #tpu.memory_space<vmem>>, %arg9: memref<128x128xf32, #tpu.memory_space<vmem>>, %arg10: memref<128x128xf32, #tpu.memory_space<vmem>>, %arg11: memref<10112x128xf32, #tpu.memory_space<vmem_shared>>, %arg12: memref<!tpu.dma_semaphore, #tpu.memory_space<semaphore_mem>>, %arg13: memref<!tpu.dma_semaphore, #tpu.memory_space<semaphore_mem>>) attributes {dimension_semantics = [#tpu.dimension_semantics<core_parallel>, #tpu.dimension_semantics<subcore_parallel>], iteration_bounds = array<i64: 2, 16>, scalar_prefetch = 0 : i64, scratch_operands = 7 : i64, tpu.core_type = #tpu.core_type<sc_vector_subcore>, window_params = [{transform_indices = #map}, {transform_indices = #map1}, {transform_indices = #map1}, {transform_indices = #map1}, {transform_indices = #map}]} {
    %mul3A = arith.constant 632 : i32
    %mul3A_0 = arith.muli %arg1, %mul3A : i32
    %eq3A = arith.constant 0 : i32
    %eq3A_1 = arith.cmpi eq, %arg0, %eq3A : i32
    %mul3A_2 = arith.constant 144 : i32
    %mul3A_3 = arith.muli %arg1, %mul3A_2 : i32
    %mul3A_4 = arith.constant 16 : i32
    %mul3A_5 = arith.muli %arg1, %mul3A_4 : i32
    %add3A = arith.constant 2304 : i32
    %add3A_6 = arith.addi %add3A, %mul3A_5 : i32
    %select_n3A = arith.select %eq3A_1, %mul3A_3, %add3A_6 : i32
    %eq3A_7 = arith.constant 0 : i32
    %eq3A_8 = arith.cmpi eq, %arg0, %eq3A_7 : i32
    %jit3A = arith.constant 9 : i32
    %jit3A_9 = arith.constant 1 : i32
    %select_n3A_10 = arith.select %eq3A_8, %jit3A, %jit3A_9 : i32
    "tpu.region"() ({
      %run_scoped3A = tpu.sem_alloc : memref<!tpu.dma_semaphore, #tpu.memory_space<semaphore_mem>>
      %dma_start3A = arith.constant 0 : i32
      %dma_start3A_28 = tpu.memref_slice %arg11[%mul3A_0, %dma_start3A] : memref<10112x128xf32, #tpu.memory_space<vmem_shared>> -> memref<632x128xf32, #tpu.memory_space<vmem_shared>>
      %dma_start3A_29 = arith.constant 0 : i32
      %dma_start3A_30 = tpu.memref_slice %arg5[%mul3A_0, %dma_start3A_29] : memref<10112x128xf32, #tpu.memory_space<hbm>> -> memref<632x128xf32, #tpu.memory_space<hbm>>
      tpu.enqueue_dma source(%dma_start3A_30 : memref<632x128xf32, #tpu.memory_space<hbm>>) target(%dma_start3A_28 : memref<632x128xf32, #tpu.memory_space<vmem_shared>>) target_semaphore(%run_scoped3A : memref<!tpu.dma_semaphore, #tpu.memory_space<semaphore_mem>>)
      %dma_wait3A = arith.constant 0 : i32
      %dma_wait3A_31 = tpu.memref_slice %arg11[%mul3A_0, %dma_wait3A] : memref<10112x128xf32, #tpu.memory_space<vmem_shared>> -> memref<632x128xf32, #tpu.memory_space<vmem_shared>>
      %dma_wait3A_32 = arith.constant 0 : i32
      %dma_wait3A_33 = tpu.memref_slice %arg5[%mul3A_0, %dma_wait3A_32] : memref<10112x128xf32, #tpu.memory_space<hbm>> -> memref<632x128xf32, #tpu.memory_space<hbm>>
      tpu.wait_dma2 semaphore(%run_scoped3A : memref<!tpu.dma_semaphore, #tpu.memory_space<semaphore_mem>>) src(%dma_wait3A_33 : memref<632x128xf32, #tpu.memory_space<hbm>>) dst(%dma_wait3A_31 : memref<632x128xf32, #tpu.memory_space<vmem_shared>>)
      tpu.yield
    }) : () -> ()
    %barrier3A = arith.constant 0 : index
    tpu.barrier barrier_id(%barrier3A)
    %sub3A = arith.constant 0 : i32
    %sub3A_11 = arith.subi %select_n3A_10, %sub3A : i32
    %sub3A_12 = arith.constant 1 : i32
    %sub3A_13 = arith.constant 1 : i32
    %sub3A_14 = arith.subi %sub3A_12, %sub3A_13 : i32
    %add3A_15 = arith.addi %sub3A_11, %sub3A_14 : i32
    %div3A = arith.constant 1 : i32
    %div3A_16 = arith.divsi %add3A_15, %div3A : i32
    %while3A = arith.constant 1 : i32
    %while3A_17 = arith.constant 0 : i32
    %while3A_18 = arith.constant 0 : i32
    %while3A_19 = arith.subi %div3A_16, %while3A_18 : i32
    %while3A_20 = arith.addi %while3A_18, %while3A_19 : i32
    %while3A_21 = arith.constant 1 : i32
    %while3A_22 = arith.divsi %while3A_19, %while3A_21 : i32
    %while3A_23 = arith.muli %while3A_22, %while3A_21 : i32
    %while3A_24 = arith.addi %while3A_18, %while3A_23 : i32
    %while3A_25 = arith.constant 1 : i32
    scf.for %while3A_28 = %while3A_18 to %while3A_24 step %while3A_25  : i32 {
      %mul3A_29 = arith.muli %while3A_28, %while3A : i32
      %add3A_30 = arith.addi %while3A_17, %mul3A_29 : i32
      %mul3A_31 = arith.constant 16 : i32
      %mul3A_32 = arith.muli %add3A_30, %mul3A_31 : i32
      %add3A_33 = arith.addi %select_n3A, %mul3A_32 : i32
      "tpu.region"() ({
        %run_scoped3A = tpu.sem_alloc : memref<!tpu.dma_semaphore, #tpu.memory_space<semaphore_mem>>
        %dma_start3A_48 = arith.constant 0 : i32
        %dma_start3A_49 = tpu.memref_slice %arg3[%add3A_33, %dma_start3A_48] : memref<2560x128xi32, #tpu.memory_space<hbm>> -> memref<16x128xi32, #tpu.memory_space<hbm>>
        %dma_start3A_50 = arith.constant 0 : i32
        %dma_start3A_51 = tpu.memref_slice %arg3[%add3A_33, %dma_start3A_50] : memref<2560x128xi32, #tpu.memory_space<hbm>> -> memref<16x128xi32, #tpu.memory_space<hbm>>
        tpu.enqueue_dma source(%dma_start3A_51 : memref<16x128xi32, #tpu.memory_space<hbm>>) target(%arg7 : memref<16x128xi32, #tpu.memory_space<vmem>>) target_semaphore(%run_scoped3A : memref<!tpu.dma_semaphore, #tpu.memory_space<semaphore_mem>>)
        %dma_wait3A = arith.constant 0 : i32
        %dma_wait3A_52 = tpu.memref_slice %arg3[%add3A_33, %dma_wait3A] : memref<2560x128xi32, #tpu.memory_space<hbm>> -> memref<16x128xi32, #tpu.memory_space<hbm>>
        %dma_wait3A_53 = arith.constant 0 : i32
        %dma_wait3A_54 = tpu.memref_slice %arg3[%add3A_33, %dma_wait3A_53] : memref<2560x128xi32, #tpu.memory_space<hbm>> -> memref<16x128xi32, #tpu.memory_space<hbm>>
        tpu.wait_dma2 semaphore(%run_scoped3A : memref<!tpu.dma_semaphore, #tpu.memory_space<semaphore_mem>>) src(%dma_wait3A_54 : memref<16x128xi32, #tpu.memory_space<hbm>>) dst(%arg7 : memref<16x128xi32, #tpu.memory_space<vmem>>)
        tpu.yield
      }) : () -> ()
      "tpu.region"() ({
        %run_scoped3A = tpu.sem_alloc : memref<!tpu.dma_semaphore, #tpu.memory_space<semaphore_mem>>
        %dma_start3A_48 = arith.constant 0 : i32
        %dma_start3A_49 = tpu.memref_slice %arg4[%add3A_33, %dma_start3A_48] : memref<2560x128xi32, #tpu.memory_space<hbm>> -> memref<16x128xi32, #tpu.memory_space<hbm>>
        %dma_start3A_50 = arith.constant 0 : i32
        %dma_start3A_51 = tpu.memref_slice %arg4[%add3A_33, %dma_start3A_50] : memref<2560x128xi32, #tpu.memory_space<hbm>> -> memref<16x128xi32, #tpu.memory_space<hbm>>
        tpu.enqueue_dma source(%dma_start3A_51 : memref<16x128xi32, #tpu.memory_space<hbm>>) target(%arg8 : memref<16x128xi32, #tpu.memory_space<vmem>>) target_semaphore(%run_scoped3A : memref<!tpu.dma_semaphore, #tpu.memory_space<semaphore_mem>>)
        %dma_wait3A = arith.constant 0 : i32
        %dma_wait3A_52 = tpu.memref_slice %arg4[%add3A_33, %dma_wait3A] : memref<2560x128xi32, #tpu.memory_space<hbm>> -> memref<16x128xi32, #tpu.memory_space<hbm>>
        %dma_wait3A_53 = arith.constant 0 : i32
        %dma_wait3A_54 = tpu.memref_slice %arg4[%add3A_33, %dma_wait3A_53] : memref<2560x128xi32, #tpu.memory_space<hbm>> -> memref<16x128xi32, #tpu.memory_space<hbm>>
        tpu.wait_dma2 semaphore(%run_scoped3A : memref<!tpu.dma_semaphore, #tpu.memory_space<semaphore_mem>>) src(%dma_wait3A_54 : memref<16x128xi32, #tpu.memory_space<hbm>>) dst(%arg8 : memref<16x128xi32, #tpu.memory_space<vmem>>)
        tpu.yield
      }) : () -> ()
      %dma_start3A = arith.constant 0 : i32
      %dma_start3A_34 = arith.constant 0 : i32
      %dma_start3A_35 = tpu.memref_slice %arg7[%dma_start3A, %dma_start3A_34] : memref<16x128xi32, #tpu.memory_space<vmem>> -> memref<1x128xi32, #tpu.memory_space<vmem>>
      %dma_start3A_36 = tpu.memref_squeeze %dma_start3A_35 : memref<1x128xi32, #tpu.memory_space<vmem>> -> memref<128xi32, #tpu.memory_space<vmem>>
      %dma_start3A_37 = arith.constant 0 : i32
      %dma_start3A_38 = arith.constant 0 : i32
      %dma_start3A_39 = tpu.memref_slice %arg2[%arg0, %dma_start3A_37, %dma_start3A_38] : memref<2x10112x128xf32, #tpu.memory_space<hbm>> -> memref<1x10112x128xf32, #tpu.memory_space<hbm>>
      %dma_start3A_40 = tpu.memref_squeeze %dma_start3A_39 : memref<1x10112x128xf32, #tpu.memory_space<hbm>> -> memref<10112x128xf32, #tpu.memory_space<hbm>>
      %dma_start3A_41 = arith.constant 0 : i32
      %dma_start3A_42 = arith.constant 0 : i32
      %dma_start3A_43 = tpu.memref_slice %dma_start3A_40[%dma_start3A_41, %dma_start3A_42] : memref<10112x128xf32, #tpu.memory_space<hbm>> -> memref<10112x128xf32, #tpu.memory_space<hbm>>
      tpu.enqueue_indirect_dma source(%dma_start3A_43 : memref<10112x128xf32, #tpu.memory_space<hbm>>) target(%arg9 : memref<128x128xf32, #tpu.memory_space<vmem>>) offsets(%dma_start3A_36 : memref<128xi32, #tpu.memory_space<vmem>>) semaphore(%arg12 : memref<!tpu.dma_semaphore, #tpu.memory_space<semaphore_mem>>)
      %scan3A = arith.constant 0 : i32
      %scan3A_44 = arith.constant 8 : i32
      %scan3A_45 = arith.addi %scan3A, %scan3A_44 : i32
      %scan3A_46 = arith.constant 1 : i32
      scf.for %scan3A_48 = %scan3A to %scan3A_45 step %scan3A_46  : i32 {
        %mul3A_49 = arith.constant 2 : i32
        %mul3A_50 = arith.muli %scan3A_48, %mul3A_49 : i32
        %add3A_51 = arith.constant 0 : i32
        %add3A_52 = arith.addi %add3A_51, %mul3A_50 : i32
        %add3A_53 = arith.constant 1 : i32
        %add3A_54 = arith.addi %add3A_52, %add3A_53 : i32
        %dma_start3A_55 = arith.constant 0 : i32
        %dma_start3A_56 = tpu.memref_slice %arg7[%add3A_54, %dma_start3A_55] : memref<16x128xi32, #tpu.memory_space<vmem>> -> memref<1x128xi32, #tpu.memory_space<vmem>>
        %dma_start3A_57 = tpu.memref_squeeze %dma_start3A_56 : memref<1x128xi32, #tpu.memory_space<vmem>> -> memref<128xi32, #tpu.memory_space<vmem>>
        %dma_start3A_58 = arith.constant 0 : i32
        %dma_start3A_59 = arith.constant 0 : i32
        %dma_start3A_60 = tpu.memref_slice %arg2[%arg0, %dma_start3A_58, %dma_start3A_59] : memref<2x10112x128xf32, #tpu.memory_space<hbm>> -> memref<1x10112x128xf32, #tpu.memory_space<hbm>>
        %dma_start3A_61 = tpu.memref_squeeze %dma_start3A_60 : memref<1x10112x128xf32, #tpu.memory_space<hbm>> -> memref<10112x128xf32, #tpu.memory_space<hbm>>
        %dma_start3A_62 = arith.constant 0 : i32
        %dma_start3A_63 = arith.constant 0 : i32
        %dma_start3A_64 = tpu.memref_slice %dma_start3A_61[%dma_start3A_62, %dma_start3A_63] : memref<10112x128xf32, #tpu.memory_space<hbm>> -> memref<10112x128xf32, #tpu.memory_space<hbm>>
        tpu.enqueue_indirect_dma source(%dma_start3A_64 : memref<10112x128xf32, #tpu.memory_space<hbm>>) target(%arg10 : memref<128x128xf32, #tpu.memory_space<vmem>>) offsets(%dma_start3A_57 : memref<128xi32, #tpu.memory_space<vmem>>) semaphore(%arg13 : memref<!tpu.dma_semaphore, #tpu.memory_space<semaphore_mem>>)
        %dma_wait3A = arith.constant 0 : i32
        %dma_wait3A_65 = tpu.memref_slice %arg7[%add3A_52, %dma_wait3A] : memref<16x128xi32, #tpu.memory_space<vmem>> -> memref<1x128xi32, #tpu.memory_space<vmem>>
        %dma_wait3A_66 = tpu.memref_squeeze %dma_wait3A_65 : memref<1x128xi32, #tpu.memory_space<vmem>> -> memref<128xi32, #tpu.memory_space<vmem>>
        %dma_wait3A_67 = arith.constant 0 : i32
        %dma_wait3A_68 = arith.constant 0 : i32
        %dma_wait3A_69 = tpu.memref_slice %arg2[%arg0, %dma_wait3A_67, %dma_wait3A_68] : memref<2x10112x128xf32, #tpu.memory_space<hbm>> -> memref<1x10112x128xf32, #tpu.memory_space<hbm>>
        %dma_wait3A_70 = tpu.memref_squeeze %dma_wait3A_69 : memref<1x10112x128xf32, #tpu.memory_space<hbm>> -> memref<10112x128xf32, #tpu.memory_space<hbm>>
        %dma_wait3A_71 = arith.constant 0 : i32
        %dma_wait3A_72 = arith.constant 0 : i32
        %dma_wait3A_73 = tpu.memref_slice %dma_wait3A_70[%dma_wait3A_71, %dma_wait3A_72] : memref<10112x128xf32, #tpu.memory_space<hbm>> -> memref<10112x128xf32, #tpu.memory_space<hbm>>
        tpu.wait_indirect_dma semaphore(%arg12 : memref<!tpu.dma_semaphore, #tpu.memory_space<semaphore_mem>>) src(%dma_wait3A_73 : memref<10112x128xf32, #tpu.memory_space<hbm>>) dst(%arg9 : memref<128x128xf32, #tpu.memory_space<vmem>>)
        "tpu.region"() ({
          %run_scoped3A = tpu.sem_alloc : memref<!tpu.dma_semaphore, #tpu.memory_space<semaphore_mem>>
          %dma_start3A_92 = arith.constant 0 : i32
          %dma_start3A_93 = tpu.memref_slice %arg8[%add3A_52, %dma_start3A_92] : memref<16x128xi32, #tpu.memory_space<vmem>> -> memref<1x128xi32, #tpu.memory_space<vmem>>
          %dma_start3A_94 = tpu.memref_squeeze %dma_start3A_93 : memref<1x128xi32, #tpu.memory_space<vmem>> -> memref<128xi32, #tpu.memory_space<vmem>>
          %dma_start3A_95 = arith.constant 0 : i32
          %dma_start3A_96 = arith.constant 0 : i32
          %dma_start3A_97 = tpu.memref_slice %arg11[%dma_start3A_95, %dma_start3A_96] : memref<10112x128xf32, #tpu.memory_space<vmem_shared>> -> memref<10112x128xf32, #tpu.memory_space<vmem_shared>>
          tpu.enqueue_indirect_dma source(%arg9 : memref<128x128xf32, #tpu.memory_space<vmem>>) target(%dma_start3A_97 : memref<10112x128xf32, #tpu.memory_space<vmem_shared>>) offsets(%dma_start3A_94 : memref<128xi32, #tpu.memory_space<vmem>>) semaphore(%run_scoped3A : memref<!tpu.dma_semaphore, #tpu.memory_space<semaphore_mem>>) {add = true}
          %dma_wait3A_98 = arith.constant 0 : i32
          %dma_wait3A_99 = tpu.memref_slice %arg8[%add3A_52, %dma_wait3A_98] : memref<16x128xi32, #tpu.memory_space<vmem>> -> memref<1x128xi32, #tpu.memory_space<vmem>>
          %dma_wait3A_100 = tpu.memref_squeeze %dma_wait3A_99 : memref<1x128xi32, #tpu.memory_space<vmem>> -> memref<128xi32, #tpu.memory_space<vmem>>
          %dma_wait3A_101 = arith.constant 0 : i32
          %dma_wait3A_102 = arith.constant 0 : i32
          %dma_wait3A_103 = tpu.memref_slice %arg11[%dma_wait3A_101, %dma_wait3A_102] : memref<10112x128xf32, #tpu.memory_space<vmem_shared>> -> memref<10112x128xf32, #tpu.memory_space<vmem_shared>>
          tpu.wait_indirect_dma semaphore(%run_scoped3A : memref<!tpu.dma_semaphore, #tpu.memory_space<semaphore_mem>>) src(%arg9 : memref<128x128xf32, #tpu.memory_space<vmem>>) dst(%dma_wait3A_103 : memref<10112x128xf32, #tpu.memory_space<vmem_shared>>)
          tpu.yield
        }) : () -> ()
        %add3A_74 = arith.constant 2 : i32
        %add3A_75 = arith.addi %add3A_52, %add3A_74 : i32
        %lt3A = arith.constant 16 : i32
        %lt3A_76 = arith.cmpi slt, %add3A_75, %lt3A : i32
        %convert_element_type3A = arith.extui %lt3A_76 : i1 to i32
        %cond3A = arith.constant 0 : i32
        %cond3A_77 = arith.cmpi ne, %convert_element_type3A, %cond3A : i32
        scf.if %cond3A_77 {
          %add3A_92 = arith.constant 2 : i32
          %add3A_93 = arith.addi %add3A_52, %add3A_92 : i32
          %dma_start3A_94 = arith.constant 0 : i32
          %dma_start3A_95 = tpu.memref_slice %arg7[%add3A_93, %dma_start3A_94] : memref<16x128xi32, #tpu.memory_space<vmem>> -> memref<1x128xi32, #tpu.memory_space<vmem>>
          %dma_start3A_96 = tpu.memref_squeeze %dma_start3A_95 : memref<1x128xi32, #tpu.memory_space<vmem>> -> memref<128xi32, #tpu.memory_space<vmem>>
          %dma_start3A_97 = arith.constant 0 : i32
          %dma_start3A_98 = arith.constant 0 : i32
          %dma_start3A_99 = tpu.memref_slice %arg2[%arg0, %dma_start3A_97, %dma_start3A_98] : memref<2x10112x128xf32, #tpu.memory_space<hbm>> -> memref<1x10112x128xf32, #tpu.memory_space<hbm>>
          %dma_start3A_100 = tpu.memref_squeeze %dma_start3A_99 : memref<1x10112x128xf32, #tpu.memory_space<hbm>> -> memref<10112x128xf32, #tpu.memory_space<hbm>>
          %dma_start3A_101 = arith.constant 0 : i32
          %dma_start3A_102 = arith.constant 0 : i32
          %dma_start3A_103 = tpu.memref_slice %dma_start3A_100[%dma_start3A_101, %dma_start3A_102] : memref<10112x128xf32, #tpu.memory_space<hbm>> -> memref<10112x128xf32, #tpu.memory_space<hbm>>
          tpu.enqueue_indirect_dma source(%dma_start3A_103 : memref<10112x128xf32, #tpu.memory_space<hbm>>) target(%arg9 : memref<128x128xf32, #tpu.memory_space<vmem>>) offsets(%dma_start3A_96 : memref<128xi32, #tpu.memory_space<vmem>>) semaphore(%arg12 : memref<!tpu.dma_semaphore, #tpu.memory_space<semaphore_mem>>)
        } else {
        }
        %add3A_78 = arith.constant 1 : i32
        %add3A_79 = arith.addi %add3A_52, %add3A_78 : i32
        %dma_wait3A_80 = arith.constant 0 : i32
        %dma_wait3A_81 = tpu.memref_slice %arg7[%add3A_79, %dma_wait3A_80] : memref<16x128xi32, #tpu.memory_space<vmem>> -> memref<1x128xi32, #tpu.memory_space<vmem>>
        %dma_wait3A_82 = tpu.memref_squeeze %dma_wait3A_81 : memref<1x128xi32, #tpu.memory_space<vmem>> -> memref<128xi32, #tpu.memory_space<vmem>>
        %dma_wait3A_83 = arith.constant 0 : i32
        %dma_wait3A_84 = arith.constant 0 : i32
        %dma_wait3A_85 = tpu.memref_slice %arg2[%arg0, %dma_wait3A_83, %dma_wait3A_84] : memref<2x10112x128xf32, #tpu.memory_space<hbm>> -> memref<1x10112x128xf32, #tpu.memory_space<hbm>>
        %dma_wait3A_86 = tpu.memref_squeeze %dma_wait3A_85 : memref<1x10112x128xf32, #tpu.memory_space<hbm>> -> memref<10112x128xf32, #tpu.memory_space<hbm>>
        %dma_wait3A_87 = arith.constant 0 : i32
        %dma_wait3A_88 = arith.constant 0 : i32
        %dma_wait3A_89 = tpu.memref_slice %dma_wait3A_86[%dma_wait3A_87, %dma_wait3A_88] : memref<10112x128xf32, #tpu.memory_space<hbm>> -> memref<10112x128xf32, #tpu.memory_space<hbm>>
        tpu.wait_indirect_dma semaphore(%arg13 : memref<!tpu.dma_semaphore, #tpu.memory_space<semaphore_mem>>) src(%dma_wait3A_89 : memref<10112x128xf32, #tpu.memory_space<hbm>>) dst(%arg10 : memref<128x128xf32, #tpu.memory_space<vmem>>)
        %add3A_90 = arith.constant 1 : i32
        %add3A_91 = arith.addi %add3A_52, %add3A_90 : i32
        "tpu.region"() ({
          %run_scoped3A = tpu.sem_alloc : memref<!tpu.dma_semaphore, #tpu.memory_space<semaphore_mem>>
          %dma_start3A_92 = arith.constant 0 : i32
          %dma_start3A_93 = tpu.memref_slice %arg8[%add3A_91, %dma_start3A_92] : memref<16x128xi32, #tpu.memory_space<vmem>> -> memref<1x128xi32, #tpu.memory_space<vmem>>
          %dma_start3A_94 = tpu.memref_squeeze %dma_start3A_93 : memref<1x128xi32, #tpu.memory_space<vmem>> -> memref<128xi32, #tpu.memory_space<vmem>>
          %dma_start3A_95 = arith.constant 0 : i32
          %dma_start3A_96 = arith.constant 0 : i32
          %dma_start3A_97 = tpu.memref_slice %arg11[%dma_start3A_95, %dma_start3A_96] : memref<10112x128xf32, #tpu.memory_space<vmem_shared>> -> memref<10112x128xf32, #tpu.memory_space<vmem_shared>>
          tpu.enqueue_indirect_dma source(%arg10 : memref<128x128xf32, #tpu.memory_space<vmem>>) target(%dma_start3A_97 : memref<10112x128xf32, #tpu.memory_space<vmem_shared>>) offsets(%dma_start3A_94 : memref<128xi32, #tpu.memory_space<vmem>>) semaphore(%run_scoped3A : memref<!tpu.dma_semaphore, #tpu.memory_space<semaphore_mem>>) {add = true}
          %dma_wait3A_98 = arith.constant 0 : i32
          %dma_wait3A_99 = tpu.memref_slice %arg8[%add3A_91, %dma_wait3A_98] : memref<16x128xi32, #tpu.memory_space<vmem>> -> memref<1x128xi32, #tpu.memory_space<vmem>>
          %dma_wait3A_100 = tpu.memref_squeeze %dma_wait3A_99 : memref<1x128xi32, #tpu.memory_space<vmem>> -> memref<128xi32, #tpu.memory_space<vmem>>
          %dma_wait3A_101 = arith.constant 0 : i32
          %dma_wait3A_102 = arith.constant 0 : i32
          %dma_wait3A_103 = tpu.memref_slice %arg11[%dma_wait3A_101, %dma_wait3A_102] : memref<10112x128xf32, #tpu.memory_space<vmem_shared>> -> memref<10112x128xf32, #tpu.memory_space<vmem_shared>>
          tpu.wait_indirect_dma semaphore(%run_scoped3A : memref<!tpu.dma_semaphore, #tpu.memory_space<semaphore_mem>>) src(%arg10 : memref<128x128xf32, #tpu.memory_space<vmem>>) dst(%dma_wait3A_103 : memref<10112x128xf32, #tpu.memory_space<vmem_shared>>)
          tpu.yield
        }) : () -> ()
      }
      %scan3A_47 = arith.constant 8 : i32
    }
    %while3A_26 = arith.constant 1 : i32
    scf.for %while3A_28 = %while3A_24 to %while3A_20 step %while3A_26  : i32 {
      %mul3A_29 = arith.muli %while3A_28, %while3A : i32
      %add3A_30 = arith.addi %while3A_17, %mul3A_29 : i32
      %mul3A_31 = arith.constant 16 : i32
      %mul3A_32 = arith.muli %add3A_30, %mul3A_31 : i32
      %add3A_33 = arith.addi %select_n3A, %mul3A_32 : i32
      "tpu.region"() ({
        %run_scoped3A = tpu.sem_alloc : memref<!tpu.dma_semaphore, #tpu.memory_space<semaphore_mem>>
        %dma_start3A_48 = arith.constant 0 : i32
        %dma_start3A_49 = tpu.memref_slice %arg3[%add3A_33, %dma_start3A_48] : memref<2560x128xi32, #tpu.memory_space<hbm>> -> memref<16x128xi32, #tpu.memory_space<hbm>>
        %dma_start3A_50 = arith.constant 0 : i32
        %dma_start3A_51 = tpu.memref_slice %arg3[%add3A_33, %dma_start3A_50] : memref<2560x128xi32, #tpu.memory_space<hbm>> -> memref<16x128xi32, #tpu.memory_space<hbm>>
        tpu.enqueue_dma source(%dma_start3A_51 : memref<16x128xi32, #tpu.memory_space<hbm>>) target(%arg7 : memref<16x128xi32, #tpu.memory_space<vmem>>) target_semaphore(%run_scoped3A : memref<!tpu.dma_semaphore, #tpu.memory_space<semaphore_mem>>)
        %dma_wait3A = arith.constant 0 : i32
        %dma_wait3A_52 = tpu.memref_slice %arg3[%add3A_33, %dma_wait3A] : memref<2560x128xi32, #tpu.memory_space<hbm>> -> memref<16x128xi32, #tpu.memory_space<hbm>>
        %dma_wait3A_53 = arith.constant 0 : i32
        %dma_wait3A_54 = tpu.memref_slice %arg3[%add3A_33, %dma_wait3A_53] : memref<2560x128xi32, #tpu.memory_space<hbm>> -> memref<16x128xi32, #tpu.memory_space<hbm>>
        tpu.wait_dma2 semaphore(%run_scoped3A : memref<!tpu.dma_semaphore, #tpu.memory_space<semaphore_mem>>) src(%dma_wait3A_54 : memref<16x128xi32, #tpu.memory_space<hbm>>) dst(%arg7 : memref<16x128xi32, #tpu.memory_space<vmem>>)
        tpu.yield
      }) : () -> ()
      "tpu.region"() ({
        %run_scoped3A = tpu.sem_alloc : memref<!tpu.dma_semaphore, #tpu.memory_space<semaphore_mem>>
        %dma_start3A_48 = arith.constant 0 : i32
        %dma_start3A_49 = tpu.memref_slice %arg4[%add3A_33, %dma_start3A_48] : memref<2560x128xi32, #tpu.memory_space<hbm>> -> memref<16x128xi32, #tpu.memory_space<hbm>>
        %dma_start3A_50 = arith.constant 0 : i32
        %dma_start3A_51 = tpu.memref_slice %arg4[%add3A_33, %dma_start3A_50] : memref<2560x128xi32, #tpu.memory_space<hbm>> -> memref<16x128xi32, #tpu.memory_space<hbm>>
        tpu.enqueue_dma source(%dma_start3A_51 : memref<16x128xi32, #tpu.memory_space<hbm>>) target(%arg8 : memref<16x128xi32, #tpu.memory_space<vmem>>) target_semaphore(%run_scoped3A : memref<!tpu.dma_semaphore, #tpu.memory_space<semaphore_mem>>)
        %dma_wait3A = arith.constant 0 : i32
        %dma_wait3A_52 = tpu.memref_slice %arg4[%add3A_33, %dma_wait3A] : memref<2560x128xi32, #tpu.memory_space<hbm>> -> memref<16x128xi32, #tpu.memory_space<hbm>>
        %dma_wait3A_53 = arith.constant 0 : i32
        %dma_wait3A_54 = tpu.memref_slice %arg4[%add3A_33, %dma_wait3A_53] : memref<2560x128xi32, #tpu.memory_space<hbm>> -> memref<16x128xi32, #tpu.memory_space<hbm>>
        tpu.wait_dma2 semaphore(%run_scoped3A : memref<!tpu.dma_semaphore, #tpu.memory_space<semaphore_mem>>) src(%dma_wait3A_54 : memref<16x128xi32, #tpu.memory_space<hbm>>) dst(%arg8 : memref<16x128xi32, #tpu.memory_space<vmem>>)
        tpu.yield
      }) : () -> ()
      %dma_start3A = arith.constant 0 : i32
      %dma_start3A_34 = arith.constant 0 : i32
      %dma_start3A_35 = tpu.memref_slice %arg7[%dma_start3A, %dma_start3A_34] : memref<16x128xi32, #tpu.memory_space<vmem>> -> memref<1x128xi32, #tpu.memory_space<vmem>>
      %dma_start3A_36 = tpu.memref_squeeze %dma_start3A_35 : memref<1x128xi32, #tpu.memory_space<vmem>> -> memref<128xi32, #tpu.memory_space<vmem>>
      %dma_start3A_37 = arith.constant 0 : i32
      %dma_start3A_38 = arith.constant 0 : i32
      %dma_start3A_39 = tpu.memref_slice %arg2[%arg0, %dma_start3A_37, %dma_start3A_38] : memref<2x10112x128xf32, #tpu.memory_space<hbm>> -> memref<1x10112x128xf32, #tpu.memory_space<hbm>>
      %dma_start3A_40 = tpu.memref_squeeze %dma_start3A_39 : memref<1x10112x128xf32, #tpu.memory_space<hbm>> -> memref<10112x128xf32, #tpu.memory_space<hbm>>
      %dma_start3A_41 = arith.constant 0 : i32
      %dma_start3A_42 = arith.constant 0 : i32
      %dma_start3A_43 = tpu.memref_slice %dma_start3A_40[%dma_start3A_41, %dma_start3A_42] : memref<10112x128xf32, #tpu.memory_space<hbm>> -> memref<10112x128xf32, #tpu.memory_space<hbm>>
      tpu.enqueue_indirect_dma source(%dma_start3A_43 : memref<10112x128xf32, #tpu.memory_space<hbm>>) target(%arg9 : memref<128x128xf32, #tpu.memory_space<vmem>>) offsets(%dma_start3A_36 : memref<128xi32, #tpu.memory_space<vmem>>) semaphore(%arg12 : memref<!tpu.dma_semaphore, #tpu.memory_space<semaphore_mem>>)
      %scan3A = arith.constant 0 : i32
      %scan3A_44 = arith.constant 8 : i32
      %scan3A_45 = arith.addi %scan3A, %scan3A_44 : i32
      %scan3A_46 = arith.constant 1 : i32
      scf.for %scan3A_48 = %scan3A to %scan3A_45 step %scan3A_46  : i32 {
        %mul3A_49 = arith.constant 2 : i32
        %mul3A_50 = arith.muli %scan3A_48, %mul3A_49 : i32
        %add3A_51 = arith.constant 0 : i32
        %add3A_52 = arith.addi %add3A_51, %mul3A_50 : i32
        %add3A_53 = arith.constant 1 : i32
        %add3A_54 = arith.addi %add3A_52, %add3A_53 : i32
        %dma_start3A_55 = arith.constant 0 : i32
        %dma_start3A_56 = tpu.memref_slice %arg7[%add3A_54, %dma_start3A_55] : memref<16x128xi32, #tpu.memory_space<vmem>> -> memref<1x128xi32, #tpu.memory_space<vmem>>
        %dma_start3A_57 = tpu.memref_squeeze %dma_start3A_56 : memref<1x128xi32, #tpu.memory_space<vmem>> -> memref<128xi32, #tpu.memory_space<vmem>>
        %dma_start3A_58 = arith.constant 0 : i32
        %dma_start3A_59 = arith.constant 0 : i32
        %dma_start3A_60 = tpu.memref_slice %arg2[%arg0, %dma_start3A_58, %dma_start3A_59] : memref<2x10112x128xf32, #tpu.memory_space<hbm>> -> memref<1x10112x128xf32, #tpu.memory_space<hbm>>
        %dma_start3A_61 = tpu.memref_squeeze %dma_start3A_60 : memref<1x10112x128xf32, #tpu.memory_space<hbm>> -> memref<10112x128xf32, #tpu.memory_space<hbm>>
        %dma_start3A_62 = arith.constant 0 : i32
        %dma_start3A_63 = arith.constant 0 : i32
        %dma_start3A_64 = tpu.memref_slice %dma_start3A_61[%dma_start3A_62, %dma_start3A_63] : memref<10112x128xf32, #tpu.memory_space<hbm>> -> memref<10112x128xf32, #tpu.memory_space<hbm>>
        tpu.enqueue_indirect_dma source(%dma_start3A_64 : memref<10112x128xf32, #tpu.memory_space<hbm>>) target(%arg10 : memref<128x128xf32, #tpu.memory_space<vmem>>) offsets(%dma_start3A_57 : memref<128xi32, #tpu.memory_space<vmem>>) semaphore(%arg13 : memref<!tpu.dma_semaphore, #tpu.memory_space<semaphore_mem>>)
        %dma_wait3A = arith.constant 0 : i32
        %dma_wait3A_65 = tpu.memref_slice %arg7[%add3A_52, %dma_wait3A] : memref<16x128xi32, #tpu.memory_space<vmem>> -> memref<1x128xi32, #tpu.memory_space<vmem>>
        %dma_wait3A_66 = tpu.memref_squeeze %dma_wait3A_65 : memref<1x128xi32, #tpu.memory_space<vmem>> -> memref<128xi32, #tpu.memory_space<vmem>>
        %dma_wait3A_67 = arith.constant 0 : i32
        %dma_wait3A_68 = arith.constant 0 : i32
        %dma_wait3A_69 = tpu.memref_slice %arg2[%arg0, %dma_wait3A_67, %dma_wait3A_68] : memref<2x10112x128xf32, #tpu.memory_space<hbm>> -> memref<1x10112x128xf32, #tpu.memory_space<hbm>>
        %dma_wait3A_70 = tpu.memref_squeeze %dma_wait3A_69 : memref<1x10112x128xf32, #tpu.memory_space<hbm>> -> memref<10112x128xf32, #tpu.memory_space<hbm>>
        %dma_wait3A_71 = arith.constant 0 : i32
        %dma_wait3A_72 = arith.constant 0 : i32
        %dma_wait3A_73 = tpu.memref_slice %dma_wait3A_70[%dma_wait3A_71, %dma_wait3A_72] : memref<10112x128xf32, #tpu.memory_space<hbm>> -> memref<10112x128xf32, #tpu.memory_space<hbm>>
        tpu.wait_indirect_dma semaphore(%arg12 : memref<!tpu.dma_semaphore, #tpu.memory_space<semaphore_mem>>) src(%dma_wait3A_73 : memref<10112x128xf32, #tpu.memory_space<hbm>>) dst(%arg9 : memref<128x128xf32, #tpu.memory_space<vmem>>)
        "tpu.region"() ({
          %run_scoped3A = tpu.sem_alloc : memref<!tpu.dma_semaphore, #tpu.memory_space<semaphore_mem>>
          %dma_start3A_92 = arith.constant 0 : i32
          %dma_start3A_93 = tpu.memref_slice %arg8[%add3A_52, %dma_start3A_92] : memref<16x128xi32, #tpu.memory_space<vmem>> -> memref<1x128xi32, #tpu.memory_space<vmem>>
          %dma_start3A_94 = tpu.memref_squeeze %dma_start3A_93 : memref<1x128xi32, #tpu.memory_space<vmem>> -> memref<128xi32, #tpu.memory_space<vmem>>
          %dma_start3A_95 = arith.constant 0 : i32
          %dma_start3A_96 = arith.constant 0 : i32
          %dma_start3A_97 = tpu.memref_slice %arg11[%dma_start3A_95, %dma_start3A_96] : memref<10112x128xf32, #tpu.memory_space<vmem_shared>> -> memref<10112x128xf32, #tpu.memory_space<vmem_shared>>
          tpu.enqueue_indirect_dma source(%arg9 : memref<128x128xf32, #tpu.memory_space<vmem>>) target(%dma_start3A_97 : memref<10112x128xf32, #tpu.memory_space<vmem_shared>>) offsets(%dma_start3A_94 : memref<128xi32, #tpu.memory_space<vmem>>) semaphore(%run_scoped3A : memref<!tpu.dma_semaphore, #tpu.memory_space<semaphore_mem>>) {add = true}
          %dma_wait3A_98 = arith.constant 0 : i32
          %dma_wait3A_99 = tpu.memref_slice %arg8[%add3A_52, %dma_wait3A_98] : memref<16x128xi32, #tpu.memory_space<vmem>> -> memref<1x128xi32, #tpu.memory_space<vmem>>
          %dma_wait3A_100 = tpu.memref_squeeze %dma_wait3A_99 : memref<1x128xi32, #tpu.memory_space<vmem>> -> memref<128xi32, #tpu.memory_space<vmem>>
          %dma_wait3A_101 = arith.constant 0 : i32
          %dma_wait3A_102 = arith.constant 0 : i32
          %dma_wait3A_103 = tpu.memref_slice %arg11[%dma_wait3A_101, %dma_wait3A_102] : memref<10112x128xf32, #tpu.memory_space<vmem_shared>> -> memref<10112x128xf32, #tpu.memory_space<vmem_shared>>
          tpu.wait_indirect_dma semaphore(%run_scoped3A : memref<!tpu.dma_semaphore, #tpu.memory_space<semaphore_mem>>) src(%arg9 : memref<128x128xf32, #tpu.memory_space<vmem>>) dst(%dma_wait3A_103 : memref<10112x128xf32, #tpu.memory_space<vmem_shared>>)
          tpu.yield
        }) : () -> ()
        %add3A_74 = arith.constant 2 : i32
        %add3A_75 = arith.addi %add3A_52, %add3A_74 : i32
        %lt3A = arith.constant 16 : i32
        %lt3A_76 = arith.cmpi slt, %add3A_75, %lt3A : i32
        %convert_element_type3A = arith.extui %lt3A_76 : i1 to i32
        %cond3A = arith.constant 0 : i32
        %cond3A_77 = arith.cmpi ne, %convert_element_type3A, %cond3A : i32
        scf.if %cond3A_77 {
          %add3A_92 = arith.constant 2 : i32
          %add3A_93 = arith.addi %add3A_52, %add3A_92 : i32
          %dma_start3A_94 = arith.constant 0 : i32
          %dma_start3A_95 = tpu.memref_slice %arg7[%add3A_93, %dma_start3A_94] : memref<16x128xi32, #tpu.memory_space<vmem>> -> memref<1x128xi32, #tpu.memory_space<vmem>>
          %dma_start3A_96 = tpu.memref_squeeze %dma_start3A_95 : memref<1x128xi32, #tpu.memory_space<vmem>> -> memref<128xi32, #tpu.memory_space<vmem>>
          %dma_start3A_97 = arith.constant 0 : i32
          %dma_start3A_98 = arith.constant 0 : i32
          %dma_start3A_99 = tpu.memref_slice %arg2[%arg0, %dma_start3A_97, %dma_start3A_98] : memref<2x10112x128xf32, #tpu.memory_space<hbm>> -> memref<1x10112x128xf32, #tpu.memory_space<hbm>>
          %dma_start3A_100 = tpu.memref_squeeze %dma_start3A_99 : memref<1x10112x128xf32, #tpu.memory_space<hbm>> -> memref<10112x128xf32, #tpu.memory_space<hbm>>
          %dma_start3A_101 = arith.constant 0 : i32
          %dma_start3A_102 = arith.constant 0 : i32
          %dma_start3A_103 = tpu.memref_slice %dma_start3A_100[%dma_start3A_101, %dma_start3A_102] : memref<10112x128xf32, #tpu.memory_space<hbm>> -> memref<10112x128xf32, #tpu.memory_space<hbm>>
          tpu.enqueue_indirect_dma source(%dma_start3A_103 : memref<10112x128xf32, #tpu.memory_space<hbm>>) target(%arg9 : memref<128x128xf32, #tpu.memory_space<vmem>>) offsets(%dma_start3A_96 : memref<128xi32, #tpu.memory_space<vmem>>) semaphore(%arg12 : memref<!tpu.dma_semaphore, #tpu.memory_space<semaphore_mem>>)
        } else {
        }
        %add3A_78 = arith.constant 1 : i32
        %add3A_79 = arith.addi %add3A_52, %add3A_78 : i32
        %dma_wait3A_80 = arith.constant 0 : i32
        %dma_wait3A_81 = tpu.memref_slice %arg7[%add3A_79, %dma_wait3A_80] : memref<16x128xi32, #tpu.memory_space<vmem>> -> memref<1x128xi32, #tpu.memory_space<vmem>>
        %dma_wait3A_82 = tpu.memref_squeeze %dma_wait3A_81 : memref<1x128xi32, #tpu.memory_space<vmem>> -> memref<128xi32, #tpu.memory_space<vmem>>
        %dma_wait3A_83 = arith.constant 0 : i32
        %dma_wait3A_84 = arith.constant 0 : i32
        %dma_wait3A_85 = tpu.memref_slice %arg2[%arg0, %dma_wait3A_83, %dma_wait3A_84] : memref<2x10112x128xf32, #tpu.memory_space<hbm>> -> memref<1x10112x128xf32, #tpu.memory_space<hbm>>
        %dma_wait3A_86 = tpu.memref_squeeze %dma_wait3A_85 : memref<1x10112x128xf32, #tpu.memory_space<hbm>> -> memref<10112x128xf32, #tpu.memory_space<hbm>>
        %dma_wait3A_87 = arith.constant 0 : i32
        %dma_wait3A_88 = arith.constant 0 : i32
        %dma_wait3A_89 = tpu.memref_slice %dma_wait3A_86[%dma_wait3A_87, %dma_wait3A_88] : memref<10112x128xf32, #tpu.memory_space<hbm>> -> memref<10112x128xf32, #tpu.memory_space<hbm>>
        tpu.wait_indirect_dma semaphore(%arg13 : memref<!tpu.dma_semaphore, #tpu.memory_space<semaphore_mem>>) src(%dma_wait3A_89 : memref<10112x128xf32, #tpu.memory_space<hbm>>) dst(%arg10 : memref<128x128xf32, #tpu.memory_space<vmem>>)
        %add3A_90 = arith.constant 1 : i32
        %add3A_91 = arith.addi %add3A_52, %add3A_90 : i32
        "tpu.region"() ({
          %run_scoped3A = tpu.sem_alloc : memref<!tpu.dma_semaphore, #tpu.memory_space<semaphore_mem>>
          %dma_start3A_92 = arith.constant 0 : i32
          %dma_start3A_93 = tpu.memref_slice %arg8[%add3A_91, %dma_start3A_92] : memref<16x128xi32, #tpu.memory_space<vmem>> -> memref<1x128xi32, #tpu.memory_space<vmem>>
          %dma_start3A_94 = tpu.memref_squeeze %dma_start3A_93 : memref<1x128xi32, #tpu.memory_space<vmem>> -> memref<128xi32, #tpu.memory_space<vmem>>
          %dma_start3A_95 = arith.constant 0 : i32
          %dma_start3A_96 = arith.constant 0 : i32
          %dma_start3A_97 = tpu.memref_slice %arg11[%dma_start3A_95, %dma_start3A_96] : memref<10112x128xf32, #tpu.memory_space<vmem_shared>> -> memref<10112x128xf32, #tpu.memory_space<vmem_shared>>
          tpu.enqueue_indirect_dma source(%arg10 : memref<128x128xf32, #tpu.memory_space<vmem>>) target(%dma_start3A_97 : memref<10112x128xf32, #tpu.memory_space<vmem_shared>>) offsets(%dma_start3A_94 : memref<128xi32, #tpu.memory_space<vmem>>) semaphore(%run_scoped3A : memref<!tpu.dma_semaphore, #tpu.memory_space<semaphore_mem>>) {add = true}
          %dma_wait3A_98 = arith.constant 0 : i32
          %dma_wait3A_99 = tpu.memref_slice %arg8[%add3A_91, %dma_wait3A_98] : memref<16x128xi32, #tpu.memory_space<vmem>> -> memref<1x128xi32, #tpu.memory_space<vmem>>
          %dma_wait3A_100 = tpu.memref_squeeze %dma_wait3A_99 : memref<1x128xi32, #tpu.memory_space<vmem>> -> memref<128xi32, #tpu.memory_space<vmem>>
          %dma_wait3A_101 = arith.constant 0 : i32
          %dma_wait3A_102 = arith.constant 0 : i32
          %dma_wait3A_103 = tpu.memref_slice %arg11[%dma_wait3A_101, %dma_wait3A_102] : memref<10112x128xf32, #tpu.memory_space<vmem_shared>> -> memref<10112x128xf32, #tpu.memory_space<vmem_shared>>
          tpu.wait_indirect_dma semaphore(%run_scoped3A : memref<!tpu.dma_semaphore, #tpu.memory_space<semaphore_mem>>) src(%arg10 : memref<128x128xf32, #tpu.memory_space<vmem>>) dst(%dma_wait3A_103 : memref<10112x128xf32, #tpu.memory_space<vmem_shared>>)
          tpu.yield
        }) : () -> ()
      }
      %scan3A_47 = arith.constant 8 : i32
    }
    %barrier3A_27 = arith.constant 0 : index
    tpu.barrier barrier_id(%barrier3A_27)
    "tpu.region"() ({
      %run_scoped3A = tpu.sem_alloc : memref<!tpu.dma_semaphore, #tpu.memory_space<semaphore_mem>>
      %dma_start3A = arith.constant 0 : i32
      %dma_start3A_28 = tpu.memref_slice %arg6[%arg0, %mul3A_0, %dma_start3A] : memref<2x10112x128xf32, #tpu.memory_space<hbm>> -> memref<1x632x128xf32, #tpu.memory_space<hbm>>
      %dma_start3A_29 = tpu.memref_squeeze %dma_start3A_28 : memref<1x632x128xf32, #tpu.memory_space<hbm>> -> memref<632x128xf32, #tpu.memory_space<hbm>>
      %dma_start3A_30 = arith.constant 0 : i32
      %dma_start3A_31 = tpu.memref_slice %arg11[%mul3A_0, %dma_start3A_30] : memref<10112x128xf32, #tpu.memory_space<vmem_shared>> -> memref<632x128xf32, #tpu.memory_space<vmem_shared>>
      tpu.enqueue_dma source(%dma_start3A_31 : memref<632x128xf32, #tpu.memory_space<vmem_shared>>) target(%dma_start3A_29 : memref<632x128xf32, #tpu.memory_space<hbm>>) target_semaphore(%run_scoped3A : memref<!tpu.dma_semaphore, #tpu.memory_space<semaphore_mem>>)
      %dma_wait3A = arith.constant 0 : i32
      %dma_wait3A_32 = tpu.memref_slice %arg6[%arg0, %mul3A_0, %dma_wait3A] : memref<2x10112x128xf32, #tpu.memory_space<hbm>> -> memref<1x632x128xf32, #tpu.memory_space<hbm>>
      %dma_wait3A_33 = tpu.memref_squeeze %dma_wait3A_32 : memref<1x632x128xf32, #tpu.memory_space<hbm>> -> memref<632x128xf32, #tpu.memory_space<hbm>>
      %dma_wait3A_34 = arith.constant 0 : i32
      %dma_wait3A_35 = tpu.memref_slice %arg11[%mul3A_0, %dma_wait3A_34] : memref<10112x128xf32, #tpu.memory_space<vmem_shared>> -> memref<632x128xf32, #tpu.memory_space<vmem_shared>>
      tpu.wait_dma2 semaphore(%run_scoped3A : memref<!tpu.dma_semaphore, #tpu.memory_space<semaphore_mem>>) src(%dma_wait3A_35 : memref<632x128xf32, #tpu.memory_space<vmem_shared>>) dst(%dma_wait3A_33 : memref<632x128xf32, #tpu.memory_space<hbm>>)
      tpu.yield
    }) : () -> ()
    return
  }
}

module attributes {stable_mosaic.version = 14 : i64} {
  func.func @_scores_body(%arg0: memref<10112x128xf32, #tpu.memory_space<vmem>>, %arg1: memref<128x128xf32, #tpu.memory_space<vmem>>, %arg2: memref<1x128xf32, #tpu.memory_space<vmem>>, %arg3: memref<10112x128xf32, #tpu.memory_space<vmem>>, %arg4: memref<10112x128xf32, #tpu.memory_space<vmem>>) attributes {dimension_semantics = [], scalar_prefetch = 0 : i64, scratch_operands = 0 : i64, tpu.core_type = #tpu.core_type<tc>} {
    %get3A = arith.constant 0 : index
    %get3A_0 = arith.constant 0 : index
    %get3A_1 = vector.load %arg0[%get3A, %get3A_0] : memref<10112x128xf32, #tpu.memory_space<vmem>>, vector<10112x128xf32>
    %get3A_2 = arith.constant 0 : index
    %get3A_3 = arith.constant 0 : index
    %get3A_4 = vector.load %arg1[%get3A_2, %get3A_3] : memref<128x128xf32, #tpu.memory_space<vmem>>, vector<128x128xf32>
    %dot_general3A = arith.constant dense<0.000000e+00> : vector<10112x128xf32>
    %dot_general3A_5 = tpu.matmul %get3A_1, %get3A_4, %dot_general3A {dimension_numbers = #tpu.dot_dimension_numbers<[1], [0], [0], [1], [0, 0, 1, 1], [], []>, transpose_lhs_hint = false} : vector<10112x128xf32>, vector<128x128xf32>, vector<10112x128xf32> -> vector<10112x128xf32>
    %get3A_6 = arith.constant 0 : index
    %get3A_7 = arith.constant 0 : index
    %get3A_8 = vector.load %arg2[%get3A_6, %get3A_7] : memref<1x128xf32, #tpu.memory_space<vmem>>, vector<1x128xf32>
    %mul3A = arith.mulf %get3A_8, %get3A_8 : vector<1x128xf32>
    %reduce_sum3A = vector.shape_cast %mul3A : vector<1x128xf32> to vector<1x1x128xf32>
    %reduce_sum3A_9 = arith.constant dense<0.000000e+00> : vector<1xf32>
    %reduce_sum3A_10 = vector.multi_reduction <add>, %reduce_sum3A, %reduce_sum3A_9 [1, 2] : vector<1x1x128xf32> to vector<1xf32>
    %reduce_sum3A_11 = vector.shape_cast %reduce_sum3A_10 : vector<1xf32> to vector<1x1x1xf32>
    %reduce_sum3A_12 = vector.extract %reduce_sum3A_11[0, 0, 0] : f32 from vector<1x1x1xf32>
    %sqrt3A = math.sqrt %reduce_sum3A_12 : f32
    %div3A = vector.broadcast %sqrt3A : f32 to vector<10112x128xf32>
    %div3A_13 = arith.divf %dot_general3A_5, %div3A : vector<10112x128xf32>
    %tanh3A = math.tanh %div3A_13 : vector<10112x128xf32>
    %bitcast_convert_type3A = tpu.bitcast %tanh3A : vector<10112x128xf32> -> vector<10112x128xi32>
    %shift_right_arithmetic3A = arith.constant 31 : i32
    %shift_right_arithmetic3A_14 = vector.broadcast %shift_right_arithmetic3A : i32 to vector<10112x128xi32>
    %shift_right_arithmetic3A_15 = arith.shrsi %bitcast_convert_type3A, %shift_right_arithmetic3A_14 : vector<10112x128xi32>
    %and3A = arith.constant 2147483647 : i32
    %and3A_16 = vector.broadcast %and3A : i32 to vector<10112x128xi32>
    %and3A_17 = arith.andi %shift_right_arithmetic3A_15, %and3A_16 : vector<10112x128xi32>
    %xor3A = arith.xori %bitcast_convert_type3A, %and3A_17 : vector<10112x128xi32>
    %iota3A = tpu.iota {dimensions = array<i32: 0>} : vector<10112x128xi32>
    %lt3A = arith.constant 10000 : i32
    %lt3A_18 = vector.broadcast %lt3A : i32 to vector<10112x128xi32>
    %lt3A_19 = arith.cmpi slt, %iota3A, %lt3A_18 : vector<10112x128xi32>
    %ge3A = arith.constant 0 : i32
    %ge3A_20 = vector.broadcast %ge3A : i32 to vector<10112x128xi32>
    %ge3A_21 = arith.cmpi sge, %xor3A, %ge3A_20 : vector<10112x128xi32>
    %and3A_22 = arith.andi %lt3A_19, %ge3A_21 : vector<10112x128xi1>
    %convert_element_type3A = arith.extui %and3A_22 : vector<10112x128xi1> to vector<10112x128xi32>
    %reduce_sum3A_23 = vector.shape_cast %convert_element_type3A : vector<10112x128xi32> to vector<1x10112x128xi32>
    %reduce_sum3A_24 = arith.constant dense<0> : vector<1xi32>
    %reduce_sum3A_25 = vector.multi_reduction <add>, %reduce_sum3A_23, %reduce_sum3A_24 [1, 2] : vector<1x10112x128xi32> to vector<1xi32>
    %reduce_sum3A_26 = vector.shape_cast %reduce_sum3A_25 : vector<1xi32> to vector<1x1x1xi32>
    %reduce_sum3A_27 = vector.extract %reduce_sum3A_26[0, 0, 0] : i32 from vector<1x1x1xi32>
    %ge3A_28 = arith.constant 640000 : i32
    %ge3A_29 = arith.cmpi sge, %reduce_sum3A_27, %ge3A_28 : i32
    %jit3A = arith.constant 0 : i32
    %jit3A_30 = arith.constant -2147483648 : i32
    %select_n3A = arith.select %ge3A_29, %jit3A, %jit3A_30 : i32
    %scan3A = arith.constant 0 : i32
    %scan3A_31 = arith.constant 31 : i32
    %scan3A_32 = arith.addi %scan3A, %scan3A_31 : i32
    %scan3A_33 = arith.constant 1 : i32
    %scan3A_34 = scf.for %scan3A_69 = %scan3A to %scan3A_32 step %scan3A_33 iter_args(%scan3A_70 = %select_n3A) -> (i32)  : i32 {
      %sub3A_71 = arith.constant 30 : i32
      %sub3A_72 = arith.subi %sub3A_71, %scan3A_69 : i32
      %shift_left3A = arith.constant 1 : i32
      %shift_left3A_73 = arith.shli %shift_left3A, %sub3A_72 : i32
      %add3A = arith.addi %scan3A_70, %shift_left3A_73 : i32
      %ge3A_74 = vector.broadcast %add3A : i32 to vector<10112x128xi32>
      %ge3A_75 = arith.cmpi sge, %xor3A, %ge3A_74 : vector<10112x128xi32>
      %and3A_76 = arith.andi %lt3A_19, %ge3A_75 : vector<10112x128xi1>
      %convert_element_type3A_77 = arith.extui %and3A_76 : vector<10112x128xi1> to vector<10112x128xi32>
      %reduce_sum3A_78 = vector.shape_cast %convert_element_type3A_77 : vector<10112x128xi32> to vector<1x10112x128xi32>
      %reduce_sum3A_79 = arith.constant dense<0> : vector<1xi32>
      %reduce_sum3A_80 = vector.multi_reduction <add>, %reduce_sum3A_78, %reduce_sum3A_79 [1, 2] : vector<1x10112x128xi32> to vector<1xi32>
      %reduce_sum3A_81 = vector.shape_cast %reduce_sum3A_80 : vector<1xi32> to vector<1x1x1xi32>
      %reduce_sum3A_82 = vector.extract %reduce_sum3A_81[0, 0, 0] : i32 from vector<1x1x1xi32>
      %ge3A_83 = arith.constant 640000 : i32
      %ge3A_84 = arith.cmpi sge, %reduce_sum3A_82, %ge3A_83 : i32
      %select_n3A_85 = arith.select %ge3A_84, %add3A, %scan3A_70 : i32
      scf.yield %select_n3A_85 : i32
    }
    %scan3A_35 = arith.constant 31 : i32
    %gt3A = vector.broadcast %scan3A_34 : i32 to vector<10112x128xi32>
    %gt3A_36 = arith.cmpi sgt, %xor3A, %gt3A : vector<10112x128xi32>
    %and3A_37 = arith.andi %lt3A_19, %gt3A_36 : vector<10112x128xi1>
    %convert_element_type3A_38 = arith.extui %and3A_37 : vector<10112x128xi1> to vector<10112x128xi32>
    %reduce_sum3A_39 = vector.shape_cast %convert_element_type3A_38 : vector<10112x128xi32> to vector<1x10112x128xi32>
    %reduce_sum3A_40 = arith.constant dense<0> : vector<1xi32>
    %reduce_sum3A_41 = vector.multi_reduction <add>, %reduce_sum3A_39, %reduce_sum3A_40 [1, 2] : vector<1x10112x128xi32> to vector<1xi32>
    %reduce_sum3A_42 = vector.shape_cast %reduce_sum3A_41 : vector<1xi32> to vector<1x1x1xi32>
    %reduce_sum3A_43 = vector.extract %reduce_sum3A_42[0, 0, 0] : i32 from vector<1x1x1xi32>
    %sub3A = arith.constant 640000 : i32
    %sub3A_44 = arith.subi %sub3A, %reduce_sum3A_43 : i32
    %eq3A = vector.broadcast %scan3A_34 : i32 to vector<10112x128xi32>
    %eq3A_45 = arith.cmpi eq, %xor3A, %eq3A : vector<10112x128xi32>
    %and3A_46 = arith.andi %lt3A_19, %eq3A_45 : vector<10112x128xi1>
    %scan3A_47 = arith.constant 0 : i32
    %scan3A_48 = arith.constant 0 : i32
    %scan3A_49 = arith.constant 14 : i32
    %scan3A_50 = arith.addi %scan3A_48, %scan3A_49 : i32
    %scan3A_51 = arith.constant 1 : i32
    %scan3A_52 = scf.for %scan3A_69 = %scan3A_48 to %scan3A_50 step %scan3A_51 iter_args(%scan3A_70 = %scan3A_47) -> (i32)  : i32 {
      %sub3A_71 = arith.constant 13 : i32
      %sub3A_72 = arith.subi %sub3A_71, %scan3A_69 : i32
      %shift_left3A = arith.constant 1 : i32
      %shift_left3A_73 = arith.shli %shift_left3A, %sub3A_72 : i32
      %add3A = arith.addi %scan3A_70, %shift_left3A_73 : i32
      %lt3A_74 = vector.broadcast %add3A : i32 to vector<10112x128xi32>
      %lt3A_75 = arith.cmpi slt, %iota3A, %lt3A_74 : vector<10112x128xi32>
      %and3A_76 = arith.andi %and3A_46, %lt3A_75 : vector<10112x128xi1>
      %convert_element_type3A_77 = arith.extui %and3A_76 : vector<10112x128xi1> to vector<10112x128xi32>
      %reduce_sum3A_78 = vector.shape_cast %convert_element_type3A_77 : vector<10112x128xi32> to vector<1x10112x128xi32>
      %reduce_sum3A_79 = arith.constant dense<0> : vector<1xi32>
      %reduce_sum3A_80 = vector.multi_reduction <add>, %reduce_sum3A_78, %reduce_sum3A_79 [1, 2] : vector<1x10112x128xi32> to vector<1xi32>
      %reduce_sum3A_81 = vector.shape_cast %reduce_sum3A_80 : vector<1xi32> to vector<1x1x1xi32>
      %reduce_sum3A_82 = vector.extract %reduce_sum3A_81[0, 0, 0] : i32 from vector<1x1x1xi32>
      %le3A = arith.cmpi sle, %reduce_sum3A_82, %sub3A_44 : i32
      %select_n3A_83 = arith.select %le3A, %add3A, %scan3A_70 : i32
      scf.yield %select_n3A_83 : i32
    }
    %scan3A_53 = arith.constant 14 : i32
    %gt3A_54 = vector.broadcast %scan3A_34 : i32 to vector<10112x128xi32>
    %gt3A_55 = arith.cmpi sgt, %xor3A, %gt3A_54 : vector<10112x128xi32>
    %lt3A_56 = vector.broadcast %scan3A_52 : i32 to vector<10112x128xi32>
    %lt3A_57 = arith.cmpi slt, %iota3A, %lt3A_56 : vector<10112x128xi32>
    %and3A_58 = arith.andi %and3A_46, %lt3A_57 : vector<10112x128xi1>
    %or3A = arith.ori %gt3A_55, %and3A_58 : vector<10112x128xi1>
    %and3A_59 = arith.andi %lt3A_19, %or3A : vector<10112x128xi1>
    %jit3A_60 = arith.constant 0.000000e+00 : f32
    %broadcast_in_dim3A = vector.broadcast %jit3A_60 : f32 to vector<10112x128xf32>
    %select_n3A_61 = arith.select %and3A_59, %tanh3A, %broadcast_in_dim3A : vector<10112x128xi1>, vector<10112x128xf32>
    %swap3A = arith.constant 0 : index
    %swap3A_62 = arith.constant 0 : index
    %swap3A_63 = vector.load %arg3[%swap3A, %swap3A_62] : memref<10112x128xf32, #tpu.memory_space<vmem>>, vector<10112x128xf32>
    tpu.vector_store %arg3[%swap3A, %swap3A_62], %select_n3A_61 {strides = array<i32>} : memref<10112x128xf32, #tpu.memory_space<vmem>>, vector<10112x128xf32>,
    %convert_element_type3A_64 = arith.extui %and3A_59 : vector<10112x128xi1> to vector<10112x128xi32>
    %convert_element_type3A_65 = arith.sitofp %convert_element_type3A_64 : vector<10112x128xi32> to vector<10112x128xf32>
    %swap3A_66 = arith.constant 0 : index
    %swap3A_67 = arith.constant 0 : index
    %swap3A_68 = vector.load %arg4[%swap3A_66, %swap3A_67] : memref<10112x128xf32, #tpu.memory_space<vmem>>, vector<10112x128xf32>
    tpu.vector_store %arg4[%swap3A_66, %swap3A_67], %convert_element_type3A_65 {strides = array<i32>} : memref<10112x128xf32, #tpu.memory_space<vmem>>, vector<10112x128xf32>,
    return
  }
}

module attributes {stable_mosaic.version = 14 : i64} {
  func.func @_mlp1_body(%arg0: i32, %arg1: memref<1264x128xf32, #tpu.memory_space<vmem>>, %arg2: memref<1264x128xf32, #tpu.memory_space<vmem>>, %arg3: memref<1264x128xf32, #tpu.memory_space<vmem>>, %arg4: memref<1264x128xf32, #tpu.memory_space<vmem>>, %arg5: memref<128x128xf32, #tpu.memory_space<vmem>>, %arg6: memref<1x128xf32, #tpu.memory_space<vmem>>, %arg7: memref<128x128xf32, #tpu.memory_space<vmem>>, %arg8: memref<1x128xf32, #tpu.memory_space<vmem>>, %arg9: memref<1264x128xf32, #tpu.memory_space<vmem>>) attributes {dimension_semantics = [#tpu.dimension_semantics<arbitrary>], iteration_bounds = array<i64: 8>, scalar_prefetch = 0 : i64, scratch_operands = 0 : i64, tpu.core_type = #tpu.core_type<tc>, window_params = [{transform_indices = @transform_0, window_bounds = array<i64: 1264, 128>}, {transform_indices = @transform_1, window_bounds = array<i64: 1264, 128>}, {transform_indices = @transform_2, window_bounds = array<i64: 1264, 128>}, {transform_indices = @transform_3, window_bounds = array<i64: 1264, 128>}, {pipeline_mode = #tpu.pipeline_mode<synchronous>, transform_indices = @transform_4, window_bounds = array<i64: 128, 128>}, {pipeline_mode = #tpu.pipeline_mode<synchronous>, transform_indices = @transform_5, window_bounds = array<i64: 1, 128>}, {pipeline_mode = #tpu.pipeline_mode<synchronous>, transform_indices = @transform_6, window_bounds = array<i64: 128, 128>}, {pipeline_mode = #tpu.pipeline_mode<synchronous>, transform_indices = @transform_7, window_bounds = array<i64: 1, 128>}, {transform_indices = @transform_8, window_bounds = array<i64: 1264, 128>}]} {
    %get3A = arith.constant 0 : index
    %get3A_0 = arith.constant 0 : index
    %get3A_1 = vector.load %arg1[%get3A, %get3A_0] : memref<1264x128xf32, #tpu.memory_space<vmem>>, vector<1264x128xf32>
    %get3A_2 = arith.constant 0 : index
    %get3A_3 = arith.constant 0 : index
    %get3A_4 = vector.load %arg2[%get3A_2, %get3A_3] : memref<1264x128xf32, #tpu.memory_space<vmem>>, vector<1264x128xf32>
    %add3A = arith.addf %get3A_1, %get3A_4 : vector<1264x128xf32>
    %get3A_5 = arith.constant 0 : index
    %get3A_6 = arith.constant 0 : index
    %get3A_7 = vector.load %arg3[%get3A_5, %get3A_6] : memref<1264x128xf32, #tpu.memory_space<vmem>>, vector<1264x128xf32>
    %add3A_8 = arith.addf %add3A, %get3A_7 : vector<1264x128xf32>
    %get3A_9 = arith.constant 0 : index
    %get3A_10 = arith.constant 0 : index
    %get3A_11 = vector.load %arg5[%get3A_9, %get3A_10] : memref<128x128xf32, #tpu.memory_space<vmem>>, vector<128x128xf32>
    %dot_general3A = arith.constant dense<0.000000e+00> : vector<1264x128xf32>
    %dot_general3A_12 = tpu.matmul %add3A_8, %get3A_11, %dot_general3A {dimension_numbers = #tpu.dot_dimension_numbers<[1], [0], [0], [1], [0, 0, 1, 1], [], []>, transpose_lhs_hint = false} : vector<1264x128xf32>, vector<128x128xf32>, vector<1264x128xf32> -> vector<1264x128xf32>
    %get3A_13 = arith.constant 0 : index
    %get3A_14 = arith.constant 0 : index
    %get3A_15 = vector.load %arg6[%get3A_13, %get3A_14] : memref<1x128xf32, #tpu.memory_space<vmem>>, vector<1x128xf32>
    %add3A_16 = vector.broadcast %get3A_15 : vector<1x128xf32> to vector<1264x128xf32>
    %add3A_17 = arith.addf %dot_general3A_12, %add3A_16 : vector<1264x128xf32>
    %max3A = arith.constant 0.000000e+00 : f32
    %max3A_18 = vector.broadcast %max3A : f32 to vector<1264x128xf32>
    %max3A_19 = arith.maximumf %add3A_17, %max3A_18 : vector<1264x128xf32>
    %get3A_20 = arith.constant 0 : index
    %get3A_21 = arith.constant 0 : index
    %get3A_22 = vector.load %arg7[%get3A_20, %get3A_21] : memref<128x128xf32, #tpu.memory_space<vmem>>, vector<128x128xf32>
    %dot_general3A_23 = arith.constant dense<0.000000e+00> : vector<1264x128xf32>
    %dot_general3A_24 = tpu.matmul %max3A_19, %get3A_22, %dot_general3A_23 {dimension_numbers = #tpu.dot_dimension_numbers<[1], [0], [0], [1], [0, 0, 1, 1], [], []>, transpose_lhs_hint = false} : vector<1264x128xf32>, vector<128x128xf32>, vector<1264x128xf32> -> vector<1264x128xf32>
    %get3A_25 = arith.constant 0 : index
    %get3A_26 = arith.constant 0 : index
    %get3A_27 = vector.load %arg8[%get3A_25, %get3A_26] : memref<1x128xf32, #tpu.memory_space<vmem>>, vector<1x128xf32>
    %add3A_28 = vector.broadcast %get3A_27 : vector<1x128xf32> to vector<1264x128xf32>
    %add3A_29 = arith.addf %dot_general3A_24, %add3A_28 : vector<1264x128xf32>
    %max3A_30 = arith.constant 0.000000e+00 : f32
    %max3A_31 = vector.broadcast %max3A_30 : f32 to vector<1264x128xf32>
    %max3A_32 = arith.maximumf %add3A_29, %max3A_31 : vector<1264x128xf32>
    %get3A_33 = arith.constant 0 : index
    %get3A_34 = arith.constant 0 : index
    %get3A_35 = vector.load %arg4[%get3A_33, %get3A_34] : memref<1264x128xf32, #tpu.memory_space<vmem>>, vector<1264x128xf32>
    %mul3A = arith.mulf %max3A_32, %get3A_35 : vector<1264x128xf32>
    %swap3A = arith.constant 0 : index
    %swap3A_36 = arith.constant 0 : index
    %swap3A_37 = vector.load %arg9[%swap3A, %swap3A_36] : memref<1264x128xf32, #tpu.memory_space<vmem>>, vector<1264x128xf32>
    tpu.vector_store %arg9[%swap3A, %swap3A_36], %mul3A {strides = array<i32>} : memref<1264x128xf32, #tpu.memory_space<vmem>>, vector<1264x128xf32>,
    return
  }
  func.func @transform_0(%arg0: i32) -> (i32, i32) {
    %c0_i32 = arith.constant 0 : i32
    %c0_i32_0 = arith.constant 0 : i32
    return %arg0, %c0_i32 : i32, i32
  }
  func.func @transform_1(%arg0: i32) -> (i32, i32) {
    %c0_i32 = arith.constant 0 : i32
    %c0_i32_0 = arith.constant 0 : i32
    return %arg0, %c0_i32 : i32, i32
  }
  func.func @transform_2(%arg0: i32) -> (i32, i32) {
    %c0_i32 = arith.constant 0 : i32
    %c0_i32_0 = arith.constant 0 : i32
    return %arg0, %c0_i32 : i32, i32
  }
  func.func @transform_3(%arg0: i32) -> (i32, i32) {
    %c0_i32 = arith.constant 0 : i32
    %c0_i32_0 = arith.constant 0 : i32
    return %arg0, %c0_i32 : i32, i32
  }
  func.func @transform_4(%arg0: i32) -> (i32, i32) {
    %c0_i32 = arith.constant 0 : i32
    %c0_i32_0 = arith.constant 0 : i32
    %c0_i32_1 = arith.constant 0 : i32
    return %c0_i32, %c0_i32_0 : i32, i32
  }
  func.func @transform_5(%arg0: i32) -> (i32, i32) {
    %c0_i32 = arith.constant 0 : i32
    %c0_i32_0 = arith.constant 0 : i32
    %c0_i32_1 = arith.constant 0 : i32
    return %c0_i32, %c0_i32_0 : i32, i32
  }
  func.func @transform_6(%arg0: i32) -> (i32, i32) {
    %c0_i32 = arith.constant 0 : i32
    %c0_i32_0 = arith.constant 0 : i32
    %c0_i32_1 = arith.constant 0 : i32
    return %c0_i32, %c0_i32_0 : i32, i32
  }
  func.func @transform_7(%arg0: i32) -> (i32, i32) {
    %c0_i32 = arith.constant 0 : i32
    %c0_i32_0 = arith.constant 0 : i32
    %c0_i32_1 = arith.constant 0 : i32
    return %c0_i32, %c0_i32_0 : i32, i32
  }
  func.func @transform_8(%arg0: i32) -> (i32, i32) {
    %c0_i32 = arith.constant 0 : i32
    %c0_i32_0 = arith.constant 0 : i32
    return %arg0, %c0_i32 : i32, i32
  }
}

module attributes {stable_mosaic.version = 14 : i64} {
  func.func @_mlp2_body(%arg0: i32, %arg1: memref<1264x128xf32, #tpu.memory_space<vmem>>, %arg2: memref<1264x128xf32, #tpu.memory_space<vmem>>, %arg3: memref<1264x128xf32, #tpu.memory_space<vmem>>, %arg4: memref<1264x128xf32, #tpu.memory_space<vmem>>, %arg5: memref<128x128xf32, #tpu.memory_space<vmem>>, %arg6: memref<1x128xf32, #tpu.memory_space<vmem>>, %arg7: memref<128x128xf32, #tpu.memory_space<vmem>>, %arg8: memref<1x128xf32, #tpu.memory_space<vmem>>, %arg9: memref<1x128xf32, #tpu.memory_space<vmem>>) attributes {dimension_semantics = [#tpu.dimension_semantics<arbitrary>], iteration_bounds = array<i64: 8>, scalar_prefetch = 0 : i64, scratch_operands = 0 : i64, tpu.core_type = #tpu.core_type<tc>, window_params = [{transform_indices = @transform_0, window_bounds = array<i64: 1264, 128>}, {transform_indices = @transform_1, window_bounds = array<i64: 1264, 128>}, {transform_indices = @transform_2, window_bounds = array<i64: 1264, 128>}, {transform_indices = @transform_3, window_bounds = array<i64: 1264, 128>}, {pipeline_mode = #tpu.pipeline_mode<synchronous>, transform_indices = @transform_4, window_bounds = array<i64: 128, 128>}, {pipeline_mode = #tpu.pipeline_mode<synchronous>, transform_indices = @transform_5, window_bounds = array<i64: 1, 128>}, {pipeline_mode = #tpu.pipeline_mode<synchronous>, transform_indices = @transform_6, window_bounds = array<i64: 128, 128>}, {pipeline_mode = #tpu.pipeline_mode<synchronous>, transform_indices = @transform_7, window_bounds = array<i64: 1, 128>}, {pipeline_mode = #tpu.pipeline_mode<synchronous>, transform_indices = @transform_8, window_bounds = array<i64: 1, 128>}]} {
    %get3A = arith.constant 0 : index
    %get3A_0 = arith.constant 0 : index
    %get3A_1 = vector.load %arg4[%get3A, %get3A_0] : memref<1264x128xf32, #tpu.memory_space<vmem>>, vector<1264x128xf32>
    %get3A_2 = arith.constant 0 : index
    %get3A_3 = arith.constant 0 : index
    %get3A_4 = vector.load %arg1[%get3A_2, %get3A_3] : memref<1264x128xf32, #tpu.memory_space<vmem>>, vector<1264x128xf32>
    %get3A_5 = arith.constant 0 : index
    %get3A_6 = arith.constant 0 : index
    %get3A_7 = vector.load %arg2[%get3A_5, %get3A_6] : memref<1264x128xf32, #tpu.memory_space<vmem>>, vector<1264x128xf32>
    %add3A = arith.addf %get3A_4, %get3A_7 : vector<1264x128xf32>
    %get3A_8 = arith.constant 0 : index
    %get3A_9 = arith.constant 0 : index
    %get3A_10 = vector.load %arg3[%get3A_8, %get3A_9] : memref<1264x128xf32, #tpu.memory_space<vmem>>, vector<1264x128xf32>
    %add3A_11 = arith.addf %add3A, %get3A_10 : vector<1264x128xf32>
    %mul3A = arith.mulf %add3A_11, %get3A_1 : vector<1264x128xf32>
    %get3A_12 = arith.constant 0 : index
    %get3A_13 = arith.constant 0 : index
    %get3A_14 = vector.load %arg5[%get3A_12, %get3A_13] : memref<128x128xf32, #tpu.memory_space<vmem>>, vector<128x128xf32>
    %dot_general3A = arith.constant dense<0.000000e+00> : vector<1264x128xf32>
    %dot_general3A_15 = tpu.matmul %mul3A, %get3A_14, %dot_general3A {dimension_numbers = #tpu.dot_dimension_numbers<[1], [0], [0], [1], [0, 0, 1, 1], [], []>, transpose_lhs_hint = false} : vector<1264x128xf32>, vector<128x128xf32>, vector<1264x128xf32> -> vector<1264x128xf32>
    %get3A_16 = arith.constant 0 : index
    %get3A_17 = arith.constant 0 : index
    %get3A_18 = vector.load %arg6[%get3A_16, %get3A_17] : memref<1x128xf32, #tpu.memory_space<vmem>>, vector<1x128xf32>
    %add3A_19 = vector.broadcast %get3A_18 : vector<1x128xf32> to vector<1264x128xf32>
    %add3A_20 = arith.addf %dot_general3A_15, %add3A_19 : vector<1264x128xf32>
    %max3A = arith.constant 0.000000e+00 : f32
    %max3A_21 = vector.broadcast %max3A : f32 to vector<1264x128xf32>
    %max3A_22 = arith.maximumf %add3A_20, %max3A_21 : vector<1264x128xf32>
    %get3A_23 = arith.constant 0 : index
    %get3A_24 = arith.constant 0 : index
    %get3A_25 = vector.load %arg7[%get3A_23, %get3A_24] : memref<128x128xf32, #tpu.memory_space<vmem>>, vector<128x128xf32>
    %dot_general3A_26 = arith.constant dense<0.000000e+00> : vector<1264x128xf32>
    %dot_general3A_27 = tpu.matmul %max3A_22, %get3A_25, %dot_general3A_26 {dimension_numbers = #tpu.dot_dimension_numbers<[1], [0], [0], [1], [0, 0, 1, 1], [], []>, transpose_lhs_hint = false} : vector<1264x128xf32>, vector<128x128xf32>, vector<1264x128xf32> -> vector<1264x128xf32>
    %get3A_28 = arith.constant 0 : index
    %get3A_29 = arith.constant 0 : index
    %get3A_30 = vector.load %arg8[%get3A_28, %get3A_29] : memref<1x128xf32, #tpu.memory_space<vmem>>, vector<1x128xf32>
    %add3A_31 = vector.broadcast %get3A_30 : vector<1x128xf32> to vector<1264x128xf32>
    %add3A_32 = arith.addf %dot_general3A_27, %add3A_31 : vector<1264x128xf32>
    %max3A_33 = arith.constant 0.000000e+00 : f32
    %max3A_34 = vector.broadcast %max3A_33 : f32 to vector<1264x128xf32>
    %max3A_35 = arith.maximumf %add3A_32, %max3A_34 : vector<1264x128xf32>
    %mul3A_36 = arith.mulf %max3A_35, %get3A_1 : vector<1264x128xf32>
    %eq3A = arith.constant 0 : i32
    %eq3A_37 = arith.cmpi eq, %arg0, %eq3A : i32
    %convert_element_type3A = arith.extui %eq3A_37 : i1 to i32
    %cond3A = arith.constant 0 : i32
    %cond3A_38 = arith.cmpi ne, %convert_element_type3A, %cond3A : i32
    scf.if %cond3A_38 {
      %broadcast_in_dim3A_51 = arith.constant 0.000000e+00 : f32
      %broadcast_in_dim3A_52 = vector.broadcast %broadcast_in_dim3A_51 : f32 to vector<1x128xf32>
      %swap3A_53 = arith.constant 0 : index
      %swap3A_54 = arith.constant 0 : index
      %swap3A_55 = vector.load %arg9[%swap3A_53, %swap3A_54] : memref<1x128xf32, #tpu.memory_space<vmem>>, vector<1x128xf32>
      tpu.vector_store %arg9[%swap3A_53, %swap3A_54], %broadcast_in_dim3A_52 {strides = array<i32>} : memref<1x128xf32, #tpu.memory_space<vmem>>, vector<1x128xf32>,
    } else {
    }
    %get3A_39 = arith.constant 0 : index
    %get3A_40 = arith.constant 0 : index
    %get3A_41 = vector.load %arg9[%get3A_39, %get3A_40] : memref<1x128xf32, #tpu.memory_space<vmem>>, vector<1x128xf32>
    %reduce_sum3A = arith.constant dense<0.000000e+00> : vector<128xf32>
    %reduce_sum3A_42 = vector.multi_reduction <add>, %mul3A_36, %reduce_sum3A [0] : vector<1264x128xf32> to vector<128xf32>
    %broadcast_in_dim3A = vector.shape_cast %reduce_sum3A_42 : vector<128xf32> to vector<1x128xf32>
    %add3A_43 = arith.addf %get3A_41, %broadcast_in_dim3A : vector<1x128xf32>
    %swap3A = arith.constant 0 : index
    %swap3A_44 = arith.constant 0 : index
    %swap3A_45 = vector.load %arg9[%swap3A, %swap3A_44] : memref<1x128xf32, #tpu.memory_space<vmem>>, vector<1x128xf32>
    tpu.vector_store %arg9[%swap3A, %swap3A_44], %add3A_43 {strides = array<i32>} : memref<1x128xf32, #tpu.memory_space<vmem>>, vector<1x128xf32>,
    %eq3A_46 = arith.constant 7 : i32
    %eq3A_47 = arith.cmpi eq, %arg0, %eq3A_46 : i32
    %convert_element_type3A_48 = arith.extui %eq3A_47 : i1 to i32
    %cond3A_49 = arith.constant 0 : i32
    %cond3A_50 = arith.cmpi ne, %convert_element_type3A_48, %cond3A_49 : i32
    scf.if %cond3A_50 {
      %get3A_51 = arith.constant 0 : index
      %get3A_52 = arith.constant 0 : index
      %get3A_53 = vector.load %arg9[%get3A_51, %get3A_52] : memref<1x128xf32, #tpu.memory_space<vmem>>, vector<1x128xf32>
      %mul3A_54 = arith.constant 2.000000e-04 : f32
      %mul3A_55 = vector.broadcast %mul3A_54 : f32 to vector<1x128xf32>
      %mul3A_56 = arith.mulf %get3A_53, %mul3A_55 : vector<1x128xf32>
      %swap3A_57 = arith.constant 0 : index
      %swap3A_58 = arith.constant 0 : index
      %swap3A_59 = vector.load %arg9[%swap3A_57, %swap3A_58] : memref<1x128xf32, #tpu.memory_space<vmem>>, vector<1x128xf32>
      tpu.vector_store %arg9[%swap3A_57, %swap3A_58], %mul3A_56 {strides = array<i32>} : memref<1x128xf32, #tpu.memory_space<vmem>>, vector<1x128xf32>,
    } else {
    }
    return
  }
  func.func @transform_0(%arg0: i32) -> (i32, i32) {
    %c0_i32 = arith.constant 0 : i32
    %c0_i32_0 = arith.constant 0 : i32
    return %arg0, %c0_i32 : i32, i32
  }
  func.func @transform_1(%arg0: i32) -> (i32, i32) {
    %c0_i32 = arith.constant 0 : i32
    %c0_i32_0 = arith.constant 0 : i32
    return %arg0, %c0_i32 : i32, i32
  }
  func.func @transform_2(%arg0: i32) -> (i32, i32) {
    %c0_i32 = arith.constant 0 : i32
    %c0_i32_0 = arith.constant 0 : i32
    return %arg0, %c0_i32 : i32, i32
  }
  func.func @transform_3(%arg0: i32) -> (i32, i32) {
    %c0_i32 = arith.constant 0 : i32
    %c0_i32_0 = arith.constant 0 : i32
    return %arg0, %c0_i32 : i32, i32
  }
  func.func @transform_4(%arg0: i32) -> (i32, i32) {
    %c0_i32 = arith.constant 0 : i32
    %c0_i32_0 = arith.constant 0 : i32
    %c0_i32_1 = arith.constant 0 : i32
    return %c0_i32, %c0_i32_0 : i32, i32
  }
  func.func @transform_5(%arg0: i32) -> (i32, i32) {
    %c0_i32 = arith.constant 0 : i32
    %c0_i32_0 = arith.constant 0 : i32
    %c0_i32_1 = arith.constant 0 : i32
    return %c0_i32, %c0_i32_0 : i32, i32
  }
  func.func @transform_6(%arg0: i32) -> (i32, i32) {
    %c0_i32 = arith.constant 0 : i32
    %c0_i32_0 = arith.constant 0 : i32
    %c0_i32_1 = arith.constant 0 : i32
    return %c0_i32, %c0_i32_0 : i32, i32
  }
  func.func @transform_7(%arg0: i32) -> (i32, i32) {
    %c0_i32 = arith.constant 0 : i32
    %c0_i32_0 = arith.constant 0 : i32
    %c0_i32_1 = arith.constant 0 : i32
    return %c0_i32, %c0_i32_0 : i32, i32
  }
  func.func @transform_8(%arg0: i32) -> (i32, i32) {
    %c0_i32 = arith.constant 0 : i32
    %c0_i32_0 = arith.constant 0 : i32
    %c0_i32_1 = arith.constant 0 : i32
    return %c0_i32, %c0_i32_0 : i32, i32
  }
}

</mosaic_0001>

<sc_bundles>
// kernel: kernel.10.cloned.1.call-start
scs
__scs_entry_jumppad:
0x0: {  	(pc) =	sbr.rel $0x88, $3  }
0x1: {  	(tag) =	ssettag $0x0;
	lr =	simm.s32 $0x1  }
0x2: {  	[smem:$0x3F96] =	sst lr;
	_ =	strace $0xD0000000  }
0x3: {  	_ = 	snop  }
0x4: {  	_ = 	snop  }
0x5: {  	_ = 	snop  }
0x6: {  	_ = 	snop  }
0x7: {  	_ = 	snop  }
__scs_overlays_trampoline_lowered:
0x8: {  	[smem:$0x3FA5] =	sst s0  }
0x9: {  	[smem:$0x3FA6] =	sst s1  }
0xa: {  	[smem:$0x3FA7] =	sst s2  }
0xb: {  	[smem:$0x3FA8] =	sst s3  }
0xc: {  	[smem:$0x3FA9] =	sst s4  }
0xd: {  	[smem:$0x3FAA] =	sst s5  }
0xe: {  	[smem:$0x3FAB] =	sst s6  }
0xf: {  	[smem:$0x3FAC] =	sst s7  }
0x10: {  	[smem:$0x3FAD] =	sst s8  }
0x11: {  	[smem:$0x3FAE] =	sst s9;
	s0 =	simm.s32 @!p0 $0x0  }
0x12: {  	s1 =	sld [smem:$0x3F94];
	s0 =	simm.s32 @p0 $0x1  }
0x13: {  	[smem:$0x3FAF] =	sst s0;
	s0 =	simm.s32 @!p1 $0x0  }
0x14: {  	s2 =	sld [smem:$0x3F93];
	s0 =	simm.s32 @p1 $0x1  }
0x15: {  	[smem:$0x3FB0] =	sst s0;
	s0 =	simm.s32 @!p2 $0x0  }
0x16: {  	s3 =	sld [smem:$0x3FDB];
	s0 =	simm.s32 @p2 $0x1  }
0x17: {  	s4 =	simm.s32 $0x1BF5;
	[smem:$0x3FB2] =	sst s0  }
0x18: {  	s0 =	sld [smem:$0x3F95];
	_ =	swait.ge [sflag:s4], $0x0  }
0x19: {  	s7 =	sld [smem:$0x3F96]  }
0x1a: {  	s8 =	sadd.s32 $0xFFFFE003, lr  }
0x1b: {  	s9 =	sadd.s32 $0xFFFFFEF7, lr;
	s5 =	simm.s32 $0xFFFFFFFF;
	p2 =	slt.u32 s8, $0xFFFFF086  }
0x1c: {  	p1 =	slt.u32 s9, $0xF7A;
	s5 =	simm.s32 @!p2 $0x0  }
0x1d: {  	s5 =	simm.s32 @p1 $0x1;
	p0 =	seq.s32 s7, s2  }
0x1e: {  	s7 =	smul.u32 @!p0 $0xF7A, s2;
	p2 =	seq.s32 @!p0 s5, $0x0  }
0x1f: {  	s9 =	smul.u32 $0xF7A, s1;
	s8 =	simm.s32 @!p0 $0x1BF5;
	p2 =	por !p2, p0  }
0x20: {  	[sflag:s8] =	ssyncset.s32 @!p0 $0xFFFFF086;
	s6 =	sadd.s32 @!p0 s3, s7;
	s7 =	simm.s32 @!p0 $0x108  }
0x21: {  	s3 =	sadd.s32 s3, s9;
	s6 =	sadd.s32 @!p0 $0x88, s6;
	s7 =	simm.s32 @p2 $0x1082  }
0x22: {  	[simem:s7], [sflag:s8] =	dma.local @!p0 [hbm:s6], $0xF7A  }
0x23: {  	s9 =	sor.u32 $0xD0000000, s2;
	s6 =	simm.s32 $0x108;
	_ =	swait.ge @!p0 [sflag:s8], $0x0  }
0x24: {  	s3 =	sadd.s32 $0x88, s3;
	s6 =	simm.s32 @!p1 $0x1082;
	[sflag:s4] =	ssyncset.s32 $0xFFFFF086  }
0x25: {  	[simem:s6], [sflag:s4] =	dma.local [hbm:s3], $0xF7A  }
0x26: {  	[smem:$0x3F96] =	sst s1;
	(tag) =	ssettag s2;
	_ =	strace s9  }
0x27: {  	s1 =	sld [smem:$0x3FA6]  }
0x28: {  	s2 =	sld [smem:$0x3FA7]  }
0x29: {  	s4 =	sld [smem:$0x3FA9]  }
0x2a: {  	p0 =	seq.s32 s5, $0x0;
	s5 =	sld [smem:$0x3FAA]  }
0x2b: {  	s6 =	sld [smem:$0x3FAB]  }
0x2c: {  	s7 =	sld [smem:$0x3FAC]  }
0x2d: {  	s3 =	simm.s32 $0x108;
	s8 =	sld [smem:$0x3FAD]  }
0x2e: {  	s3 =	simm.s32 @!p0 $0x1082;
	s9 =	sld [smem:$0x3FAE]  }
0x2f: {  	lr =	sadd.s32 s0, s3;
	s0 =	sld [smem:$0x3FA5]  }
0x30: {  	s3 =	sld [smem:$0x3FA8]  }
0x31: {  	[smem:$0x3FB1] =	sst s10  }
0x32: {  	s10 =	sld [smem:$0x3FAF];
	_ =	sdelay $0x3  }
0x33: {  	p0 =	seq.s32 s10, $0x1;
	s10 =	sld [smem:$0x3FB1];
	_ =	sdelay $0x3  }
0x34: {  	[smem:$0x3FB1] =	sst s10  }
0x35: {  	s10 =	sld [smem:$0x3FB0];
	_ =	sdelay $0x3  }
0x36: {  	p1 =	seq.s32 s10, $0x1;
	s10 =	sld [smem:$0x3FB1];
	_ =	sdelay $0x3  }
0x37: {  	[smem:$0x3FB1] =	sst s10  }
0x38: {  	s10 =	sld [smem:$0x3FB2]  }
0x39: {  	_ = 	snop;
	(pc) =	sbr.ind lr, $3  }
0x3a: {  	_ = 	snop  }
0x3b: {  	_ = 	snop  }
0x3c: {  	p2 =	seq.s32 s10, $0x1;
	s10 =	sld [smem:$0x3FB1]  }
0x3d: {  	_ =	shalt  }
0x3e: {  	_ =	shalt  }
0x3f: {  	_ =	shalt  }
0x40: {  	_ =	shalt  }
0x41: {  	_ =	shalt  }
0x42: {  	_ =	shalt  }
0x43: {  	_ =	shalt  }
0x44: {  	_ =	shalt  }
0x45: {  	_ =	shalt  }
0x46: {  	_ =	shalt  }
0x47: {  	_ =	shalt  }
0x48: {  	_ =	shalt  }
0x49: {  	_ =	shalt  }
0x4a: {  	_ =	shalt  }
0x4b: {  	_ =	shalt  }
0x4c: {  	_ =	shalt  }
0x4d: {  	_ =	shalt  }
0x4e: {  	_ =	shalt  }
0x4f: {  	_ =	shalt  }
0x50: {  	_ =	shalt  }
0x51: {  	_ =	shalt  }
0x52: {  	_ =	shalt  }
0x53: {  	_ =	shalt  }
0x54: {  	_ =	shalt  }
0x55: {  	_ =	shalt  }
0x56: {  	_ =	shalt  }
0x57: {  	_ =	shalt  }
0x58: {  	_ =	shalt  }
0x59: {  	_ =	shalt  }
0x5a: {  	_ =	shalt  }
0x5b: {  	_ =	shalt  }
0x5c: {  	_ =	shalt  }
0x5d: {  	_ =	shalt  }
0x5e: {  	_ =	shalt  }
0x5f: {  	_ =	shalt  }
0x60: {  	_ =	shalt  }
0x61: {  	_ =	shalt  }
0x62: {  	_ =	shalt  }
0x63: {  	_ =	shalt  }
0x64: {  	_ =	shalt  }
0x65: {  	_ =	shalt  }
0x66: {  	_ =	shalt  }
0x67: {  	_ =	shalt  }
0x68: {  	_ =	shalt  }
0x69: {  	_ =	shalt  }
0x6a: {  	_ =	shalt  }
0x6b: {  	_ =	shalt  }
0x6c: {  	_ =	shalt  }
0x6d: {  	_ =	shalt  }
0x6e: {  	_ =	shalt  }
0x6f: {  	_ =	shalt  }
0x70: {  	_ =	shalt  }
0x71: {  	_ =	shalt  }
0x72: {  	_ =	shalt  }
0x73: {  	_ =	shalt  }
0x74: {  	_ =	shalt  }
0x75: {  	_ =	shalt  }
0x76: {  	_ =	shalt  }
0x77: {  	_ =	shalt  }
0x78: {  	_ =	shalt  }
0x79: {  	_ =	shalt  }
0x7a: {  	_ =	shalt  }
0x7b: {  	_ =	shalt  }
0x7c: {  	_ =	shalt  }
0x7d: {  	_ =	shalt  }
0x7e: {  	_ =	shalt  }
0x7f: {  	_ =	shalt  }
0x80: {  	_ =	shalt  }
0x81: {  	_ =	shalt  }
0x82: {  	_ =	shalt  }
0x83: {  	_ =	shalt  }
0x84: {  	_ =	shalt  }
0x85: {  	_ =	shalt  }
0x86: {  	_ =	shalt  }
0x87: {  	_ =	shalt  }
.Lfunc_end0:
.L_simem_size_0:
called_computation.1_lowered:
.L_overlay_start_0:
0x88: {  	s2 =	sld [smem:$0x3FD9]  }
0x89: {  	s3 =	sld [smem:$0x3FFE];
	_ =	sdelay $0x1  }
0x8a: {  	s1 =	srdreg.scid  }
0x8b: {  	s0 =	sand.u32 $0x1, s1  }
0x8c: {  	s16 =	sshll.u32 s0, $0xA;
	s2 =	sadd.s32 s3, s2  }
0x8d: {  	s2 =	sadd.s32 s2, s16  }
0x8e: {  	[smem:$0x3FBD] =	sst s2  }
0x8f: {  	_ = 	snop  }
0x90: {  	(tm) =	ssettm $0x1  }
0x91: {  	s17 =	sld [smem:$0x3FFB];
	_ =	sdelay $0x3  }
0x92: {  	_ =	strace s17  }
0x93: {  	s2 =	sld [smem:$0x3FFC];
	_ =	sdelay $0x3  }
0x94: {  	_ =	strace s2  }
0x95: {  	s2 =	sld [smem:$0x3FFD];
	_ =	sdelay $0x3  }
0x96: {  	_ =	strace s2  }
0x97: {  	_ =	strace $0x8FFFFFFF  }
0x98: {  	s18 =	sld [smem:$0x3FDB];
	_ =	sdelay $0x1  }
0x99: {  	s19 =	simm.s32 $_scs_section_size  }
0x9a: {  	s4 =	simm.s32 $_size__tile_overlayer_lowered;
	s5 =	simm.s32 $_tile_overlayer_lowered  }
0x9b: {  	s22 =	simm.s32 $0x1BFF;
	s21 =	sshll.u32 s5, $0x1;
	s2 =	sadd.s32 s19, s18  }
0x9c: {  	s6 =	simm.s32 $0x0;
	s20 =	sshll.u32 s4, $0x1;
	s4 =	sadd.s32 s21, s2  }
0x9d: {  	[timem:s6], [sflag:s22] =	dma.local [hbm:s4], s20  }
0x9e: {  	_ =	swait.ge [sflag:s22], s20  }
0x9f: {  	s3 =	ssub.s32 $0x0, s20;
	[sflag:s22] =	ssyncset.done $0x0  }
0xa0: {  	[sflag:s22] =	ssyncadd.s32 s3;
	_ =	sdelay $0x1  }
0xa1: {  	s23 =	simm.s32 $0x1B8B  }
0xa2: {  	_ =	swait.ge [sflag:s23], $0x1  }
0xa3: {  	[sflag:s23] =	ssyncset.done $0x0  }
0xa4: {  	s25 =	simm.s32 $0x1B8E;
	s24 =	sld [smem:$0x3FFE];
	[sflag:s23] =	ssyncadd.s32 $0xFFFFFFFF  }
0xa5: {  	s26 =	simm.s32 $execute0_lowered;
	[smem:$0x3FD2] =	sst s25  }
0xa6: {  	s4 =	sshll.u32 s26, $0x1;
	_ =	strace $0x80000049;
	[dreg:$0x1] =	wrdreg $0xFFFFFFFF  }
0xa7: {  	s28 =	simm.s32 $_size_execute0_lowered;
	s2 =	sadd.s32 s2, s4;
	[dreg:$0x0] =	wrdreg $0x0  }
0xa8: {  	s4 =	sshll.u32 s28, $0x1;
	[dreg:$0x2] =	wrdreg s2  }
0xa9: {  	[dreg:$0x3] =	wrdreg s4  }
0xaa: {  	[dreg:$0x4] =	wrdreg $0xC0  }
0xab: {  	_ =	task [dreg:s6], $0x5FFFF  }
0xac: {  	[dreg:$0x1] =	wrdreg $0xFFFFFFFF  }
0xad: {  	[dreg:$0x0] =	wrdreg $0x60  }
0xae: {  	[dreg:$0x2] =	wrdreg s24  }
0xaf: {  	[dreg:$0x3] =	wrdreg $0x90000  }
0xb0: {  	[dreg:$0x4] =	wrdreg $0x9  }
0xb1: {  	_ =	task.clear_ibuf [dreg:s6], $0x5FFFF;
	_ =	strace $0x90000049  }
0xb2: {  	s29 =	simm.s32 $0x9;
	_ =	strace $0x8000004B  }
0xb3: {  	_ =	swait.ge [sflag:s29], $0x1  }
0xb4: {  	[sflag:s29] =	ssyncadd.s32 $0xFFFFFFFF  }
0xb5: {  	_ =	strace $0x9000004B  }
0xb6: {  	_ =	sfence  }
0xb7: {  	s30 =	sld [smem:$0x0];
	_ =	sdelay $0x2  }
0xb8: {  	s31 =	sshll.u32 s1, $0xD;
	s1 =	sshrl.u32 s1, $0x2  }
0xb9: {  	s3 =	sand.u32 $0x4000, s31;
	s1 =	sadd.s32 s1, s30  }
0xba: {  	s0 =	sor.u32 s3, s0;
	s1 =	sshll.u32 s1, $0x11  }
0xbb: {  	s0 =	sor.u32 s1, s0  }
0xbc: {  	s0 =	sadd.s32 $0x8F2B, s0  }
0xbd: {  	[sflag:s0] =	ssyncadd.remote.s32 $0x1  }
0xbe: {  	_ =	sfence.sel $0xFFFF  }
0xbf: {  	[dreg:$0x0] =	wrdreg $0xFFFFFFFF;
	(pc) =	sbr.abs _section_cstart, $3  }
0xc0: {  	[dreg:$0x1] =	wrdreg $0xFFFFFFFF  }
0xc1: {  	_ =	task.clear_ibuf [dreg:s6], $0x2FFFF;
	_ =	strace $0x9FFFFFFF  }
0xc2: {  	(tm) =	ssettm $0x7FFFFFFF  }
0xc3: {  	_ =	shalt  }
tec
execute0_lowered:
.L_overlay_start_1:
0x0: {  	(tag) =	ssettag $0x1  }
0x1: {  	s0 =	rddreg [dreg:$0x0]  }
0x2: {  	s1 =	rddreg [dreg:$0x1]  }
0x3: {  	s3 =	simm.s32 $0x0;
	s2 =	srdreg.scid;
	s11 =	stileid.u32  }
0x4: {  	s12 =	simm.s32 $0x3;
	s13 =	simm.s32 $0x800;
	s14 =	simm.s32 $0x80  }
0x5: {  	s15 =	simm.s32 $0x1000;
	s16 =	simm.s32 $0x5000;
	s17 =	simm.s32 $0x1  }
0x6: {  	s19 =	simm.s32 $0x2;
	s31 =	simm.s32 $0x580;
	s4 =	smul.u32 $0x90, s11  }
0x7: {  	s18 =	simm.s32 $0xF80;
	[smem:$0x7FF] =	sst s3;
	s20 =	smul.u32 $0x13C00, s11  }
0x8: {  	s2 =	sand.u32 $0x1, s2;
	s5 =	sshll.u32 s11, $0x4;
	s9 =	smul.u32 $0x4F000, s11  }
0x9: {  	s24 =	sshll.u32 s11, $0x6;
	s11 =	simm.s32 $0xF00;
	s6 =	smul.u32 $0x27800, s2  }
0xa: {  	p0 =	seq.s32 s2, $0x0;
	s5 =	sor.u32 $0x900, s5;
	_ =	strace $0x8000004A  }
0xb: {  	s7 =	smul.u32 $0x13C000, s2;
	s21 =	ssub.s32 $0x2, s2;
	s29 =	sor.u32 $0x1C03, s24  }
0xc: {  	s24 =	simm.s32 $0xC00;
	s5 =	smov.u32 @p0 s4;
	s8 =	sshrl.u32 s20, $0x3  }
0xd: {  	s10 =	sshrl.u32 s21, $0x1;
	s23 =	sshrl.u32 s9, $0x2;
	p0 =	sne.s32 s2, $0x0  }
0xe: {  	[dreg:$0x4] =	wrdreg s29;
	s2 =	simm.s32 $0x600;
	s9 =	simm.s32 $0x700  }
0xf: {  	s5 =	sshll.u32 s5, $0x4;
	s6 =	sadd.s32 s6, s0;
	s4 =	sadd.s32 s20, s7  }
0x10: {  	s8 =	sadd.s32 s8, s0;
	s22 =	ssub.s32 s21, s10;
	s7 =	sadd.s32 s23, s1  }
0x11: {  	s21 =	simm.s32 $0x400;
	s23 =	simm.s32 $0x480;
	s10 =	simm.s32 $0xE80  }
0x12: {  	s5 =	sadd.s32 s5, s0;
	s4 =	sshrl.u32 s4, $0x3;
	s8 =	sadd.s32 $0x64E00, s8  }
0x13: {  	s6 =	sadd.s32 $0x15E00, s6;
	s25 =	smax.u32 s22, $0x1;
	s30 =	sshrl.u32 s7, $0x3  }
0x14: {  	s22 =	simm.s32 $0xB80;
	s7 =	simm.s32 $0x680;
	[dreg:$0x3] =	wrdreg s8  }
0x15: {  	s0 =	sadd.s32 s4, s0;
	[dreg:$0x6] =	wrdreg s25;
	s26 =	sadd.s32 $0x1E00, s5  }
0x16: {  	s28 =	sadd.s32 $0xBE00, s5;
	[dreg:$0x9] =	wrdreg s30;
	s25 =	simm.s32 $0x500  }
0x17: {  	s4 =	simm.s32 $0xD80;
	s8 =	simm.s32 $0xE00;
	[dreg:$0x7] =	wrdreg s26  }
0x18: {  	s5 =	simm.s32 $0x780;
	s0 =	sadd.s32 $0x8C600, s0;
	[dreg:$0x8] =	wrdreg s28  }
0x19: {  	s26 =	simm.s32 $0xC80;
	[dreg:$0x5] =	wrdreg s0;
	s0 =	simm.s32 $0x0  }
.LBB2_1:
0x1a: {  	[dreg:$0xa] =	wrdreg s0  }
0x1b: {  	s28 =	rddreg [dreg:$0x3]  }
0x1c: {  	[spmem:s30], [sflag:s29] =	dma.local [hbm:s28], $0x2780  }
0x1d: {  	_ =	swait.ge [sflag:s12], $0x2780  }
0x1e: {  	[sflag:s12] =	ssyncset.done $0x0  }
0x1f: {  	[sflag:s12] =	ssyncadd.s32 $0xFFFFD880  }
0x20: {  	[bflag:$0x0] =	sbarrier.arrive $0xFFFF  }
0x21: {  	s28 =	rddreg [dreg:$0x8]  }
0x22: {  	s0 =	simm.s32 $0xD00;
	s30 =	simm.s32 $0x0;
	s29 =	rddreg [dreg:$0x7]  }
.LBB2_2:
0x23: {  	[tilespmem:s3], [sflag:$0x3] =	stream.linear.gather [hbm4b:s28+s3], $0x800, $0x38;
	[tilespmem:$0x1CC00] =	vst v63  }
0x24: {  	_ =	swait.ge [sflag:s12], $0x800  }
0x25: {  	[sflag:s12] =	ssyncset.done $0x0  }
0x26: {  	[sflag:s12] =	ssyncadd.s32 $0xFFFFF800  }
0x27: {  	[tilespmem:s13], [sflag:$0x3] =	stream.linear.gather [hbm4b:s29+s3], $0x800, $0x38;
	[tilespmem:$0x1CC00] =	vst v63  }
0x28: {  	_ =	swait.ge [sflag:s12], $0x800  }
0x29: {  	[sflag:s12] =	ssyncset.done $0x0  }
0x2a: {  	[sflag:s12] =	ssyncadd.s32 $0xFFFFF800  }
0x2b: {  	[tilespmem:s15], [sflag:$0x1] =	stream.indirect.gather [hbm4b:s6+s14], $0x80, s3, s14, $0xb8;
	[tilespmem:$0x1CC00] =	vst v63  }
0x2c: {  	_ = 	snop  }
0x2d: {  	[tilespmem:s16], [sflag:$0x2] =	stream.indirect.gather [hbm4b:s6+s14], $0x80, s14, s14, $0xb8;
	[tilespmem:$0x1CC00] =	vst v63  }
0x2e: {  	_ =	swait.ge [sflag:s17], $0x4000  }
0x2f: {  	[sflag:s17] =	ssyncset.done $0x0  }
0x30: {  	[sflag:s17] =	ssyncadd.s32 $0xFFFFC000  }
0x31: {  	[spmem:s1] =	stream.indirect.scatter.add.f32 [tilespmem:s15], [sflag:$0x3], $0x80, s13, s14, $0xb8;
	[tilespmem:$0x1CC00] =	vst v63  }
0x32: {  	_ =	swait.ge [sflag:s12], $0x4000  }
0x33: {  	[sflag:s12] =	ssyncset.done $0x0  }
0x34: {  	s20 =	simm.s32 $0x100;
	[sflag:s12] =	ssyncadd.s32 $0xFFFFC000  }
0x35: {  	[tilespmem:s15], [sflag:$0x1] =	stream.indirect.gather [hbm4b:s6+s14], $0x80, s20, s14, $0xb8;
	[tilespmem:$0x1CC00] =	vst v63  }
0x36: {  	_ =	swait.ge [sflag:s19], $0x4000  }
0x37: {  	[sflag:s19] =	ssyncset.done $0x0  }
0x38: {  	s20 =	simm.s32 $0x880;
	[sflag:s19] =	ssyncadd.s32 $0xFFFFC000  }
0x39: {  	[spmem:s1] =	stream.indirect.scatter.add.f32 [tilespmem:s16], [sflag:$0x3], $0x80, s20, s14, $0xb8;
	[tilespmem:$0x1CC00] =	vst v63  }
0x3a: {  	_ =	swait.ge [sflag:s12], $0x4000  }
0x3b: {  	[sflag:s12] =	ssyncset.done $0x0  }
0x3c: {  	s20 =	simm.s32 $0x180;
	[sflag:s12] =	ssyncadd.s32 $0xFFFFC000  }
0x3d: {  	[tilespmem:s16], [sflag:$0x2] =	stream.indirect.gather [hbm4b:s6+s14], $0x80, s20, s14, $0xb8;
	[tilespmem:$0x1CC00] =	vst v63  }
0x3e: {  	_ =	swait.ge [sflag:s17], $0x4000  }
0x3f: {  	[sflag:s17] =	ssyncset.done $0x0  }
0x40: {  	s20 =	simm.s32 $0x900;
	[sflag:s17] =	ssyncadd.s32 $0xFFFFC000  }
0x41: {  	[spmem:s1] =	stream.indirect.scatter.add.f32 [tilespmem:s15], [sflag:$0x3], $0x80, s20, s14, $0xb8;
	[tilespmem:$0x1CC00] =	vst v63  }
0x42: {  	_ =	swait.ge [sflag:s12], $0x4000  }
0x43: {  	[sflag:s12] =	ssyncset.done $0x0  }
0x44: {  	s20 =	simm.s32 $0x200;
	[sflag:s12] =	ssyncadd.s32 $0xFFFFC000  }
0x45: {  	[tilespmem:s15], [sflag:$0x1] =	stream.indirect.gather [hbm4b:s6+s14], $0x80, s20, s14, $0xb8;
	[tilespmem:$0x1CC00] =	vst v63  }
0x46: {  	_ =	swait.ge [sflag:s19], $0x4000  }
0x47: {  	[sflag:s19] =	ssyncset.done $0x0  }
0x48: {  	s20 =	simm.s32 $0x980;
	[sflag:s19] =	ssyncadd.s32 $0xFFFFC000  }
0x49: {  	[spmem:s1] =	stream.indirect.scatter.add.f32 [tilespmem:s16], [sflag:$0x3], $0x80, s20, s14, $0xb8;
	[tilespmem:$0x1CC00] =	vst v63  }
0x4a: {  	_ =	swait.ge [sflag:s12], $0x4000  }
0x4b: {  	[sflag:s12] =	ssyncset.done $0x0  }
0x4c: {  	s20 =	simm.s32 $0x280;
	[sflag:s12] =	ssyncadd.s32 $0xFFFFC000  }
0x4d: {  	[tilespmem:s16], [sflag:$0x2] =	stream.indirect.gather [hbm4b:s6+s14], $0x80, s20, s14, $0xb8;
	[tilespmem:$0x1CC00] =	vst v63  }
0x4e: {  	_ =	swait.ge [sflag:s17], $0x4000  }
0x4f: {  	[sflag:s17] =	ssyncset.done $0x0  }
0x50: {  	s20 =	simm.s32 $0xA00;
	[sflag:s17] =	ssyncadd.s32 $0xFFFFC000  }
0x51: {  	[spmem:s1] =	stream.indirect.scatter.add.f32 [tilespmem:s15], [sflag:$0x3], $0x80, s20, s14, $0xb8;
	[tilespmem:$0x1CC00] =	vst v63  }
0x52: {  	_ =	swait.ge [sflag:s12], $0x4000  }
0x53: {  	[sflag:s12] =	ssyncset.done $0x0  }
0x54: {  	s20 =	simm.s32 $0x300;
	[sflag:s12] =	ssyncadd.s32 $0xFFFFC000  }
0x55: {  	[tilespmem:s15], [sflag:$0x1] =	stream.indirect.gather [hbm4b:s6+s14], $0x80, s20, s14, $0xb8;
	[tilespmem:$0x1CC00] =	vst v63  }
0x56: {  	_ =	swait.ge [sflag:s19], $0x4000  }
0x57: {  	[sflag:s19] =	ssyncset.done $0x0  }
0x58: {  	s20 =	simm.s32 $0xA80;
	[sflag:s19] =	ssyncadd.s32 $0xFFFFC000  }
0x59: {  	[spmem:s1] =	stream.indirect.scatter.add.f32 [tilespmem:s16], [sflag:$0x3], $0x80, s20, s14, $0xb8;
	[tilespmem:$0x1CC00] =	vst v63  }
0x5a: {  	_ =	swait.ge [sflag:s12], $0x4000  }
0x5b: {  	[sflag:s12] =	ssyncset.done $0x0  }
0x5c: {  	s20 =	simm.s32 $0x380;
	[sflag:s12] =	ssyncadd.s32 $0xFFFFC000  }
0x5d: {  	[tilespmem:s16], [sflag:$0x2] =	stream.indirect.gather [hbm4b:s6+s14], $0x80, s20, s14, $0xb8;
	[tilespmem:$0x1CC00] =	vst v63  }
0x5e: {  	_ =	swait.ge [sflag:s17], $0x4000  }
0x5f: {  	[sflag:s17] =	ssyncset.done $0x0  }
0x60: {  	s20 =	simm.s32 $0xB00;
	[sflag:s17] =	ssyncadd.s32 $0xFFFFC000  }
0x61: {  	[spmem:s1] =	stream.indirect.scatter.add.f32 [tilespmem:s15], [sflag:$0x3], $0x80, s20, s14, $0xb8;
	[tilespmem:$0x1CC00] =	vst v63  }
0x62: {  	_ =	swait.ge [sflag:s12], $0x4000  }
0x63: {  	[sflag:s12] =	ssyncset.done $0x0  }
0x64: {  	[sflag:s12] =	ssyncadd.s32 $0xFFFFC000  }
0x65: {  	[tilespmem:s15], [sflag:$0x1] =	stream.indirect.gather [hbm4b:s6+s14], $0x80, s21, s14, $0xb8;
	[tilespmem:$0x1CC00] =	vst v63  }
0x66: {  	_ =	swait.ge [sflag:s19], $0x4000  }
0x67: {  	[sflag:s19] =	ssyncset.done $0x0  }
0x68: {  	[sflag:s19] =	ssyncadd.s32 $0xFFFFC000  }
0x69: {  	[spmem:s1] =	stream.indirect.scatter.add.f32 [tilespmem:s16], [sflag:$0x3], $0x80, s22, s14, $0xb8;
	[tilespmem:$0x1CC00] =	vst v63  }
0x6a: {  	_ =	swait.ge [sflag:s12], $0x4000  }
0x6b: {  	[sflag:s12] =	ssyncset.done $0x0  }
0x6c: {  	[sflag:s12] =	ssyncadd.s32 $0xFFFFC000  }
0x6d: {  	[tilespmem:s16], [sflag:$0x2] =	stream.indirect.gather [hbm4b:s6+s14], $0x80, s23, s14, $0xb8;
	[tilespmem:$0x1CC00] =	vst v63  }
0x6e: {  	_ =	swait.ge [sflag:s17], $0x4000  }
0x6f: {  	[sflag:s17] =	ssyncset.done $0x0  }
0x70: {  	[sflag:s17] =	ssyncadd.s32 $0xFFFFC000  }
0x71: {  	[spmem:s1] =	stream.indirect.scatter.add.f32 [tilespmem:s15], [sflag:$0x3], $0x80, s24, s14, $0xb8;
	[tilespmem:$0x1CC00] =	vst v63  }
0x72: {  	_ =	swait.ge [sflag:s12], $0x4000  }
0x73: {  	[sflag:s12] =	ssyncset.done $0x0  }
0x74: {  	[sflag:s12] =	ssyncadd.s32 $0xFFFFC000  }
0x75: {  	[tilespmem:s15], [sflag:$0x1] =	stream.indirect.gather [hbm4b:s6+s14], $0x80, s25, s14, $0xb8;
	[tilespmem:$0x1CC00] =	vst v63  }
0x76: {  	_ =	swait.ge [sflag:s19], $0x4000  }
0x77: {  	[sflag:s19] =	ssyncset.done $0x0  }
0x78: {  	[sflag:s19] =	ssyncadd.s32 $0xFFFFC000  }
0x79: {  	[spmem:s1] =	stream.indirect.scatter.add.f32 [tilespmem:s16], [sflag:$0x3], $0x80, s26, s14, $0xb8;
	[tilespmem:$0x1CC00] =	vst v63  }
0x7a: {  	_ =	swait.ge [sflag:s12], $0x4000  }
0x7b: {  	[sflag:s12] =	ssyncset.done $0x0  }
0x7c: {  	[sflag:s12] =	ssyncadd.s32 $0xFFFFC000  }
0x7d: {  	[tilespmem:s16], [sflag:$0x2] =	stream.indirect.gather [hbm4b:s6+s14], $0x80, s31, s14, $0xb8;
	[tilespmem:$0x1CC00] =	vst v63  }
0x7e: {  	_ =	swait.ge [sflag:s17], $0x4000  }
0x7f: {  	[sflag:s17] =	ssyncset.done $0x0  }
0x80: {  	[sflag:s17] =	ssyncadd.s32 $0xFFFFC000  }
0x81: {  	[spmem:s1] =	stream.indirect.scatter.add.f32 [tilespmem:s15], [sflag:$0x3], $0x80, s0, s14, $0xb8;
	[tilespmem:$0x1CC00] =	vst v63  }
0x82: {  	_ =	swait.ge [sflag:s12], $0x4000  }
0x83: {  	[sflag:s12] =	ssyncset.done $0x0  }
0x84: {  	[sflag:s12] =	ssyncadd.s32 $0xFFFFC000  }
0x85: {  	[tilespmem:s15], [sflag:$0x1] =	stream.indirect.gather [hbm4b:s6+s14], $0x80, s2, s14, $0xb8;
	[tilespmem:$0x1CC00] =	vst v63  }
0x86: {  	_ =	swait.ge [sflag:s19], $0x4000  }
0x87: {  	[sflag:s19] =	ssyncset.done $0x0  }
0x88: {  	[sflag:s19] =	ssyncadd.s32 $0xFFFFC000  }
0x89: {  	[spmem:s1] =	stream.indirect.scatter.add.f32 [tilespmem:s16], [sflag:$0x3], $0x80, s4, s14, $0xb8;
	[tilespmem:$0x1CC00] =	vst v63  }
0x8a: {  	_ =	swait.ge [sflag:s12], $0x4000  }
0x8b: {  	[sflag:s12] =	ssyncset.done $0x0  }
0x8c: {  	[sflag:s12] =	ssyncadd.s32 $0xFFFFC000  }
0x8d: {  	[tilespmem:s16], [sflag:$0x2] =	stream.indirect.gather [hbm4b:s6+s14], $0x80, s7, s14, $0xb8;
	[tilespmem:$0x1CC00] =	vst v63  }
0x8e: {  	_ =	swait.ge [sflag:s17], $0x4000  }
0x8f: {  	[sflag:s17] =	ssyncset.done $0x0  }
0x90: {  	[sflag:s17] =	ssyncadd.s32 $0xFFFFC000  }
0x91: {  	[spmem:s1] =	stream.indirect.scatter.add.f32 [tilespmem:s15], [sflag:$0x3], $0x80, s8, s14, $0xb8;
	[tilespmem:$0x1CC00] =	vst v63  }
0x92: {  	_ =	swait.ge [sflag:s12], $0x4000  }
0x93: {  	[sflag:s12] =	ssyncset.done $0x0  }
0x94: {  	[sflag:s12] =	ssyncadd.s32 $0xFFFFC000  }
0x95: {  	[tilespmem:s15], [sflag:$0x1] =	stream.indirect.gather [hbm4b:s6+s14], $0x80, s9, s14, $0xb8;
	[tilespmem:$0x1CC00] =	vst v63  }
0x96: {  	_ =	swait.ge [sflag:s19], $0x4000  }
0x97: {  	[sflag:s19] =	ssyncset.done $0x0  }
0x98: {  	[sflag:s19] =	ssyncadd.s32 $0xFFFFC000  }
0x99: {  	[spmem:s1] =	stream.indirect.scatter.add.f32 [tilespmem:s16], [sflag:$0x3], $0x80, s10, s14, $0xb8;
	[tilespmem:$0x1CC00] =	vst v63  }
0x9a: {  	_ =	swait.ge [sflag:s12], $0x4000  }
0x9b: {  	[sflag:s12] =	ssyncset.done $0x0  }
0x9c: {  	[sflag:s12] =	ssyncadd.s32 $0xFFFFC000  }
0x9d: {  	[tilespmem:s16], [sflag:$0x2] =	stream.indirect.gather [hbm4b:s6+s14], $0x80, s5, s14, $0xb8;
	[tilespmem:$0x1CC00] =	vst v63  }
0x9e: {  	_ =	swait.ge [sflag:s17], $0x4000  }
0x9f: {  	[sflag:s17] =	ssyncset.done $0x0  }
0xa0: {  	[sflag:s17] =	ssyncadd.s32 $0xFFFFC000  }
0xa1: {  	[spmem:s1] =	stream.indirect.scatter.add.f32 [tilespmem:s15], [sflag:$0x3], $0x80, s11, s14, $0xb8;
	[tilespmem:$0x1CC00] =	vst v63  }
0xa2: {  	_ =	swait.ge [sflag:s12], $0x4000  }
0xa3: {  	[sflag:s12] =	ssyncset.done $0x0  }
0xa4: {  	[sflag:s12] =	ssyncadd.s32 $0xFFFFC000  }
0xa5: {  	p1 =	slt.u32 @!p0 s30, $0x8;
	_ =	swait.ge [sflag:s19], $0x4000  }
0xa6: {  	p1 =	por p0, !p1;
	[sflag:s19] =	ssyncset.done $0x0  }
.Ltmp0:
0xa7: {  	[sflag:s19] =	ssyncadd.s32 $0xFFFFC000;
	(pc) =	sbr.rel @!p1 .LBB2_2-.Ltmp0, $4  }
0xa8: {  	[spmem:s1] =	stream.indirect.scatter.add.f32 [tilespmem:s16], [sflag:$0x3], $0x80, s18, s14, $0xb8;
	[tilespmem:$0x1CC00] =	vst v63  }
0xa9: {  	_ =	swait.ge [sflag:s12], $0x4000  }
0xaa: {  	s30 =	sadd.s32 $0x1, s30;
	[sflag:s12] =	ssyncset.done $0x0  }
0xab: {  	s28 =	sadd.s32 $0x100, s28;
	s29 =	sadd.s32 $0x100, s29;
	[sflag:s12] =	ssyncadd.s32 $0xFFFFC000  }
0xac: {  	[bflag:$0x0] =	sbarrier.arrive $0xFFFF  }
0xad: {  	s29 =	rddreg [dreg:$0x4]  }
0xae: {  	s28 =	rddreg [dreg:$0x5]  }
0xaf: {  	s30 =	rddreg [dreg:$0x9]  }
0xb0: {  	[hbm:s28], [sflag:s29] =	dma.local [spmem:s30], $0x2780  }
0xb1: {  	_ =	swait.ge [sflag:s12], $0x2780  }
0xb2: {  	s0 =	rddreg [dreg:$0xa]  }
0xb3: {  	s20 =	rddreg [dreg:$0x6];
	s0 =	sadd.s32 $0x1, s0  }
0xb4: {  	p1 =	sne.s32 s0, s20  }
.Ltmp1:
0xb5: {  	_ = 	snop;
	(pc) =	sbr.rel @p1 .LBB2_1-.Ltmp1, $3  }
0xb6: {  	_ =	sdelay $0x1  }
0xb7: {  	[sflag:s12] =	ssyncset.done $0x0  }
0xb8: {  	[sflag:s12] =	ssyncadd.s32 $0xFFFFD880  }
0xb9: {  	_ =	sfence.sel $0x180000  }
0xba: {  	[bflag:$0x0] =	sbarrier.arrive $0xFFFF  }
0xbb: {  	_ =	strace $0x9000004A  }
0xbc: {  	s0 =	stileid.u32;
	[bflag:$0x2] =	sbarrier.arrive $0xFFFF  }
0xbd: {  	p0 =	sne.s32 s0, $0x0;
	s0 =	rddreg [dreg:$0x2]  }
0xbe: {  	s0 =	sadd.s32 @!p0 $0x100000, s0  }
0xbf: {  	[sflag:s0] =	ssyncadd.tile.s32 @!p0 $0x1;
	_ =	shalt  }
.Lfunc_end2:
_tile_overlayer_lowered:
.L_overlay_start_2:
0xc0: {  	(tag) =	ssettag $0x2  }
0xc1: {  	s0 =	rddreg [dreg:$0x0];
	s2 =	stileid.u32  }
0xc2: {  	s1 =	rddreg [dreg:$0x1];
	p0 =	sne.s32 s2, $0x0  }
0xc3: {  	s3 =	rddreg [dreg:$0x2];
	[bflag:$0x3] =	sbarrier.arrive $0xFFFF;
	s2 =	simm.s32 @!p0 $0x1C03  }
0xc4: {  	[timem:s3], [sflag:s2] =	dma.local @!p0 [hbm:s0], s1  }
0xc5: {  	s0 =	simm.s32 @!p0 $0x3  }
0xc6: {  	_ =	swait.ge @!p0 [sflag:s0], s1  }
0xc7: {  	s1 =	ssub.s32 @!p0 $0x0, s1;
	[sflag:s0] =	ssyncset.done @!p0 $0x0  }
0xc8: {  	[sflag:s0] =	ssyncadd.s32 @!p0 s1  }
0xc9: {  	[bflag:$0x3] =	sbarrier.arrive $0xFFFF  }
0xca: {  	_ =	shalt  }

// kernel: kernel.7.cloned.1.call-start
scs
__scs_entry_jumppad:
0x0: {  	(pc) =	sbr.rel $0x88, $3  }
0x1: {  	(tag) =	ssettag $0x0;
	lr =	simm.s32 $0x1  }
0x2: {  	[smem:$0x3F96] =	sst lr;
	_ =	strace $0xD0000000  }
0x3: {  	_ = 	snop  }
0x4: {  	_ = 	snop  }
0x5: {  	_ = 	snop  }
0x6: {  	_ = 	snop  }
0x7: {  	_ = 	snop  }
__scs_overlays_trampoline_lowered:
0x8: {  	[smem:$0x3FA5] =	sst s0  }
0x9: {  	[smem:$0x3FA6] =	sst s1  }
0xa: {  	[smem:$0x3FA7] =	sst s2  }
0xb: {  	[smem:$0x3FA8] =	sst s3  }
0xc: {  	[smem:$0x3FA9] =	sst s4  }
0xd: {  	[smem:$0x3FAA] =	sst s5  }
0xe: {  	[smem:$0x3FAB] =	sst s6  }
0xf: {  	[smem:$0x3FAC] =	sst s7  }
0x10: {  	[smem:$0x3FAD] =	sst s8  }
0x11: {  	[smem:$0x3FAE] =	sst s9;
	s0 =	simm.s32 @!p0 $0x0  }
0x12: {  	s1 =	sld [smem:$0x3F94];
	s0 =	simm.s32 @p0 $0x1  }
0x13: {  	[smem:$0x3FAF] =	sst s0;
	s0 =	simm.s32 @!p1 $0x0  }
0x14: {  	s2 =	sld [smem:$0x3F93];
	s0 =	simm.s32 @p1 $0x1  }
0x15: {  	[smem:$0x3FB0] =	sst s0;
	s0 =	simm.s32 @!p2 $0x0  }
0x16: {  	s3 =	sld [smem:$0x3FDB];
	s0 =	simm.s32 @p2 $0x1  }
0x17: {  	s4 =	simm.s32 $0x1BF5;
	[smem:$0x3FB2] =	sst s0  }
0x18: {  	s0 =	sld [smem:$0x3F95];
	_ =	swait.ge [sflag:s4], $0x0  }
0x19: {  	s7 =	sld [smem:$0x3F96]  }
0x1a: {  	s8 =	sadd.s32 $0xFFFFE003, lr  }
0x1b: {  	s9 =	sadd.s32 $0xFFFFFEF7, lr;
	s5 =	simm.s32 $0xFFFFFFFF;
	p2 =	slt.u32 s8, $0xFFFFF086  }
0x1c: {  	p1 =	slt.u32 s9, $0xF7A;
	s5 =	simm.s32 @!p2 $0x0  }
0x1d: {  	s5 =	simm.s32 @p1 $0x1;
	p0 =	seq.s32 s7, s2  }
0x1e: {  	s7 =	smul.u32 @!p0 $0xF7A, s2;
	p2 =	seq.s32 @!p0 s5, $0x0  }
0x1f: {  	s9 =	smul.u32 $0xF7A, s1;
	s8 =	simm.s32 @!p0 $0x1BF5;
	p2 =	por !p2, p0  }
0x20: {  	[sflag:s8] =	ssyncset.s32 @!p0 $0xFFFFF086;
	s6 =	sadd.s32 @!p0 s3, s7;
	s7 =	simm.s32 @!p0 $0x108  }
0x21: {  	s3 =	sadd.s32 s3, s9;
	s6 =	sadd.s32 @!p0 $0x88, s6;
	s7 =	simm.s32 @p2 $0x1082  }
0x22: {  	[simem:s7], [sflag:s8] =	dma.local @!p0 [hbm:s6], $0xF7A  }
0x23: {  	s9 =	sor.u32 $0xD0000000, s2;
	s6 =	simm.s32 $0x108;
	_ =	swait.ge @!p0 [sflag:s8], $0x0  }
0x24: {  	s3 =	sadd.s32 $0x88, s3;
	s6 =	simm.s32 @!p1 $0x1082;
	[sflag:s4] =	ssyncset.s32 $0xFFFFF086  }
0x25: {  	[simem:s6], [sflag:s4] =	dma.local [hbm:s3], $0xF7A  }
0x26: {  	[smem:$0x3F96] =	sst s1;
	(tag) =	ssettag s2;
	_ =	strace s9  }
0x27: {  	s1 =	sld [smem:$0x3FA6]  }
0x28: {  	s2 =	sld [smem:$0x3FA7]  }
0x29: {  	s4 =	sld [smem:$0x3FA9]  }
0x2a: {  	p0 =	seq.s32 s5, $0x0;
	s5 =	sld [smem:$0x3FAA]  }
0x2b: {  	s6 =	sld [smem:$0x3FAB]  }
0x2c: {  	s7 =	sld [smem:$0x3FAC]  }
0x2d: {  	s3 =	simm.s32 $0x108;
	s8 =	sld [smem:$0x3FAD]  }
0x2e: {  	s3 =	simm.s32 @!p0 $0x1082;
	s9 =	sld [smem:$0x3FAE]  }
0x2f: {  	lr =	sadd.s32 s0, s3;
	s0 =	sld [smem:$0x3FA5]  }
0x30: {  	s3 =	sld [smem:$0x3FA8]  }
0x31: {  	[smem:$0x3FB1] =	sst s10  }
0x32: {  	s10 =	sld [smem:$0x3FAF];
	_ =	sdelay $0x3  }
0x33: {  	p0 =	seq.s32 s10, $0x1;
	s10 =	sld [smem:$0x3FB1];
	_ =	sdelay $0x3  }
0x34: {  	[smem:$0x3FB1] =	sst s10  }
0x35: {  	s10 =	sld [smem:$0x3FB0];
	_ =	sdelay $0x3  }
0x36: {  	p1 =	seq.s32 s10, $0x1;
	s10 =	sld [smem:$0x3FB1];
	_ =	sdelay $0x3  }
0x37: {  	[smem:$0x3FB1] =	sst s10  }
0x38: {  	s10 =	sld [smem:$0x3FB2]  }
0x39: {  	_ = 	snop;
	(pc) =	sbr.ind lr, $3  }
0x3a: {  	_ = 	snop  }
0x3b: {  	_ = 	snop  }
0x3c: {  	p2 =	seq.s32 s10, $0x1;
	s10 =	sld [smem:$0x3FB1]  }
0x3d: {  	_ =	shalt  }
0x3e: {  	_ =	shalt  }
0x3f: {  	_ =	shalt  }
0x40: {  	_ =	shalt  }
0x41: {  	_ =	shalt  }
0x42: {  	_ =	shalt  }
0x43: {  	_ =	shalt  }
0x44: {  	_ =	shalt  }
0x45: {  	_ =	shalt  }
0x46: {  	_ =	shalt  }
0x47: {  	_ =	shalt  }
0x48: {  	_ =	shalt  }
0x49: {  	_ =	shalt  }
0x4a: {  	_ =	shalt  }
0x4b: {  	_ =	shalt  }
0x4c: {  	_ =	shalt  }
0x4d: {  	_ =	shalt  }
0x4e: {  	_ =	shalt  }
0x4f: {  	_ =	shalt  }
0x50: {  	_ =	shalt  }
0x51: {  	_ =	shalt  }
0x52: {  	_ =	shalt  }
0x53: {  	_ =	shalt  }
0x54: {  	_ =	shalt  }
0x55: {  	_ =	shalt  }
0x56: {  	_ =	shalt  }
0x57: {  	_ =	shalt  }
0x58: {  	_ =	shalt  }
0x59: {  	_ =	shalt  }
0x5a: {  	_ =	shalt  }
0x5b: {  	_ =	shalt  }
0x5c: {  	_ =	shalt  }
0x5d: {  	_ =	shalt  }
0x5e: {  	_ =	shalt  }
0x5f: {  	_ =	shalt  }
0x60: {  	_ =	shalt  }
0x61: {  	_ =	shalt  }
0x62: {  	_ =	shalt  }
0x63: {  	_ =	shalt  }
0x64: {  	_ =	shalt  }
0x65: {  	_ =	shalt  }
0x66: {  	_ =	shalt  }
0x67: {  	_ =	shalt  }
0x68: {  	_ =	shalt  }
0x69: {  	_ =	shalt  }
0x6a: {  	_ =	shalt  }
0x6b: {  	_ =	shalt  }
0x6c: {  	_ =	shalt  }
0x6d: {  	_ =	shalt  }
0x6e: {  	_ =	shalt  }
0x6f: {  	_ =	shalt  }
0x70: {  	_ =	shalt  }
0x71: {  	_ =	shalt  }
0x72: {  	_ =	shalt  }
0x73: {  	_ =	shalt  }
0x74: {  	_ =	shalt  }
0x75: {  	_ =	shalt  }
0x76: {  	_ =	shalt  }
0x77: {  	_ =	shalt  }
0x78: {  	_ =	shalt  }
0x79: {  	_ =	shalt  }
0x7a: {  	_ =	shalt  }
0x7b: {  	_ =	shalt  }
0x7c: {  	_ =	shalt  }
0x7d: {  	_ =	shalt  }
0x7e: {  	_ =	shalt  }
0x7f: {  	_ =	shalt  }
0x80: {  	_ =	shalt  }
0x81: {  	_ =	shalt  }
0x82: {  	_ =	shalt  }
0x83: {  	_ =	shalt  }
0x84: {  	_ =	shalt  }
0x85: {  	_ =	shalt  }
0x86: {  	_ =	shalt  }
0x87: {  	_ =	shalt  }
.Lfunc_end0:
.L_simem_size_0:
called_computation_lowered:
.L_overlay_start_0:
0x88: {  	s2 =	sld [smem:$0x3FD9]  }
0x89: {  	s3 =	sld [smem:$0x3FFE];
	_ =	sdelay $0x1  }
0x8a: {  	s1 =	srdreg.scid  }
0x8b: {  	s0 =	sand.u32 $0x1, s1  }
0x8c: {  	s16 =	sshll.u32 s0, $0xA;
	s2 =	sadd.s32 s3, s2  }
0x8d: {  	s2 =	sadd.s32 s2, s16  }
0x8e: {  	[smem:$0x3FBD] =	sst s2  }
0x8f: {  	_ = 	snop  }
0x90: {  	(tm) =	ssettm $0x1  }
0x91: {  	s17 =	sld [smem:$0x3FFB];
	_ =	sdelay $0x3  }
0x92: {  	_ =	strace s17  }
0x93: {  	s2 =	sld [smem:$0x3FFC];
	_ =	sdelay $0x3  }
0x94: {  	_ =	strace s2  }
0x95: {  	s2 =	sld [smem:$0x3FFD];
	_ =	sdelay $0x3  }
0x96: {  	_ =	strace s2  }
0x97: {  	_ =	strace $0x8FFFFFFF  }
0x98: {  	s18 =	sld [smem:$0x3FDB];
	_ =	sdelay $0x1  }
0x99: {  	s19 =	simm.s32 $_scs_section_size  }
0x9a: {  	s4 =	simm.s32 $_size__tile_overlayer_lowered;
	s5 =	simm.s32 $_tile_overlayer_lowered  }
0x9b: {  	s22 =	simm.s32 $0x1BFF;
	s21 =	sshll.u32 s5, $0x1;
	s2 =	sadd.s32 s19, s18  }
0x9c: {  	s6 =	simm.s32 $0x0;
	s20 =	sshll.u32 s4, $0x1;
	s4 =	sadd.s32 s21, s2  }
0x9d: {  	[timem:s6], [sflag:s22] =	dma.local [hbm:s4], s20  }
0x9e: {  	_ =	swait.ge [sflag:s22], s20  }
0x9f: {  	s3 =	ssub.s32 $0x0, s20;
	[sflag:s22] =	ssyncset.done $0x0  }
0xa0: {  	[sflag:s22] =	ssyncadd.s32 s3;
	_ =	sdelay $0x1  }
0xa1: {  	s23 =	simm.s32 $0x1B8B  }
0xa2: {  	_ =	swait.ge [sflag:s23], $0x1  }
0xa3: {  	[sflag:s23] =	ssyncset.done $0x0  }
0xa4: {  	s25 =	simm.s32 $0x1B8E;
	s24 =	sld [smem:$0x3FFE];
	[sflag:s23] =	ssyncadd.s32 $0xFFFFFFFF  }
0xa5: {  	s26 =	simm.s32 $execute0_lowered;
	[smem:$0x3FD2] =	sst s25  }
0xa6: {  	s4 =	sshll.u32 s26, $0x1;
	_ =	strace $0x80000046;
	[dreg:$0x1] =	wrdreg $0xFFFFFFFF  }
0xa7: {  	s28 =	simm.s32 $_size_execute0_lowered;
	s2 =	sadd.s32 s2, s4;
	[dreg:$0x0] =	wrdreg $0x0  }
0xa8: {  	s4 =	sshll.u32 s28, $0x1;
	[dreg:$0x2] =	wrdreg s2  }
0xa9: {  	[dreg:$0x3] =	wrdreg s4  }
0xaa: {  	[dreg:$0x4] =	wrdreg $0xC0  }
0xab: {  	_ =	task [dreg:s6], $0x5FFFF  }
0xac: {  	[dreg:$0x1] =	wrdreg $0xFFFFFFFF  }
0xad: {  	[dreg:$0x0] =	wrdreg $0x60  }
0xae: {  	[dreg:$0x2] =	wrdreg s24  }
0xaf: {  	[dreg:$0x3] =	wrdreg $0x90000  }
0xb0: {  	[dreg:$0x4] =	wrdreg $0x9  }
0xb1: {  	_ =	task.clear_ibuf [dreg:s6], $0x5FFFF;
	_ =	strace $0x90000046  }
0xb2: {  	s29 =	simm.s32 $0x9;
	_ =	strace $0x80000048  }
0xb3: {  	_ =	swait.ge [sflag:s29], $0x1  }
0xb4: {  	[sflag:s29] =	ssyncadd.s32 $0xFFFFFFFF  }
0xb5: {  	_ =	strace $0x90000048  }
0xb6: {  	_ =	sfence  }
0xb7: {  	s30 =	sld [smem:$0x0];
	_ =	sdelay $0x2  }
0xb8: {  	s31 =	sshll.u32 s1, $0xD;
	s1 =	sshrl.u32 s1, $0x2  }
0xb9: {  	s3 =	sand.u32 $0x4000, s31;
	s1 =	sadd.s32 s1, s30  }
0xba: {  	s0 =	sor.u32 s3, s0;
	s1 =	sshll.u32 s1, $0x11  }
0xbb: {  	s0 =	sor.u32 s1, s0  }
0xbc: {  	s0 =	sadd.s32 $0x8F2B, s0  }
0xbd: {  	[sflag:s0] =	ssyncadd.remote.s32 $0x1  }
0xbe: {  	_ =	sfence.sel $0xFFFF  }
0xbf: {  	[dreg:$0x0] =	wrdreg $0xFFFFFFFF;
	(pc) =	sbr.abs _section_cstart, $3  }
0xc0: {  	[dreg:$0x1] =	wrdreg $0xFFFFFFFF  }
0xc1: {  	_ =	task.clear_ibuf [dreg:s6], $0x2FFFF;
	_ =	strace $0x9FFFFFFF  }
0xc2: {  	(tm) =	ssettm $0x7FFFFFFF  }
0xc3: {  	_ =	shalt  }
tec
execute0_lowered:
.L_overlay_start_1:
0x0: {  	(tag) =	ssettag $0x1  }
0x1: {  	s0 =	rddreg [dreg:$0x0]  }
0x2: {  	s1 =	rddreg [dreg:$0x1]  }
0x3: {  	s3 =	simm.s32 $0x0;
	s2 =	srdreg.scid;
	s11 =	stileid.u32  }
0x4: {  	s12 =	simm.s32 $0x3;
	s13 =	simm.s32 $0x800;
	s14 =	simm.s32 $0x80  }
0x5: {  	s15 =	simm.s32 $0x1000;
	s16 =	simm.s32 $0x5000;
	s17 =	simm.s32 $0x1  }
0x6: {  	s19 =	simm.s32 $0x2;
	s31 =	simm.s32 $0x580;
	s4 =	smul.u32 $0x90, s11  }
0x7: {  	s18 =	simm.s32 $0xF80;
	[smem:$0x7FF] =	sst s3;
	s20 =	smul.u32 $0x13C00, s11  }
0x8: {  	s2 =	sand.u32 $0x1, s2;
	s5 =	sshll.u32 s11, $0x4;
	s9 =	smul.u32 $0x4F000, s11  }
0x9: {  	s24 =	sshll.u32 s11, $0x6;
	s11 =	simm.s32 $0xF00;
	s6 =	smul.u32 $0x27800, s2  }
0xa: {  	p0 =	seq.s32 s2, $0x0;
	s5 =	sor.u32 $0x900, s5;
	_ =	strace $0x80000047  }
0xb: {  	s7 =	smul.u32 $0x13C000, s2;
	s21 =	ssub.s32 $0x2, s2;
	s29 =	sor.u32 $0x1C03, s24  }
0xc: {  	s24 =	simm.s32 $0xC00;
	s5 =	smov.u32 @p0 s4;
	s8 =	sshrl.u32 s20, $0x3  }
0xd: {  	s10 =	sshrl.u32 s21, $0x1;
	s23 =	sshrl.u32 s9, $0x2;
	p0 =	sne.s32 s2, $0x0  }
0xe: {  	[dreg:$0x4] =	wrdreg s29;
	s2 =	simm.s32 $0x600;
	s9 =	simm.s32 $0x700  }
0xf: {  	s5 =	sshll.u32 s5, $0x4;
	s6 =	sadd.s32 s6, s0;
	s4 =	sadd.s32 s20, s7  }
0x10: {  	s8 =	sadd.s32 s8, s0;
	s22 =	ssub.s32 s21, s10;
	s7 =	sadd.s32 s23, s1  }
0x11: {  	s21 =	simm.s32 $0x400;
	s23 =	simm.s32 $0x480;
	s10 =	simm.s32 $0xE80  }
0x12: {  	s5 =	sadd.s32 s5, s0;
	s4 =	sshrl.u32 s4, $0x3;
	s8 =	sadd.s32 $0x64E00, s8  }
0x13: {  	s6 =	sadd.s32 $0x15E00, s6;
	s25 =	smax.u32 s22, $0x1;
	s30 =	sshrl.u32 s7, $0x3  }
0x14: {  	s22 =	simm.s32 $0xB80;
	s7 =	simm.s32 $0x680;
	[dreg:$0x3] =	wrdreg s8  }
0x15: {  	s0 =	sadd.s32 s4, s0;
	[dreg:$0x6] =	wrdreg s25;
	s26 =	sadd.s32 $0x1E00, s5  }
0x16: {  	s28 =	sadd.s32 $0xBE00, s5;
	[dreg:$0x9] =	wrdreg s30;
	s25 =	simm.s32 $0x500  }
0x17: {  	s4 =	simm.s32 $0xD80;
	s8 =	simm.s32 $0xE00;
	[dreg:$0x7] =	wrdreg s26  }
0x18: {  	s5 =	simm.s32 $0x780;
	s0 =	sadd.s32 $0x8C600, s0;
	[dreg:$0x8] =	wrdreg s28  }
0x19: {  	s26 =	simm.s32 $0xC80;
	[dreg:$0x5] =	wrdreg s0;
	s0 =	simm.s32 $0x0  }
.LBB2_1:
0x1a: {  	[dreg:$0xa] =	wrdreg s0  }
0x1b: {  	s28 =	rddreg [dreg:$0x3]  }
0x1c: {  	[spmem:s30], [sflag:s29] =	dma.local [hbm:s28], $0x2780  }
0x1d: {  	_ =	swait.ge [sflag:s12], $0x2780  }
0x1e: {  	[sflag:s12] =	ssyncset.done $0x0  }
0x1f: {  	[sflag:s12] =	ssyncadd.s32 $0xFFFFD880  }
0x20: {  	[bflag:$0x0] =	sbarrier.arrive $0xFFFF  }
0x21: {  	s28 =	rddreg [dreg:$0x8]  }
0x22: {  	s0 =	simm.s32 $0xD00;
	s30 =	simm.s32 $0x0;
	s29 =	rddreg [dreg:$0x7]  }
.LBB2_2:
0x23: {  	[tilespmem:s3], [sflag:$0x3] =	stream.linear.gather [hbm4b:s28+s3], $0x800, $0x38;
	[tilespmem:$0x1CC00] =	vst v63  }
0x24: {  	_ =	swait.ge [sflag:s12], $0x800  }
0x25: {  	[sflag:s12] =	ssyncset.done $0x0  }
0x26: {  	[sflag:s12] =	ssyncadd.s32 $0xFFFFF800  }
0x27: {  	[tilespmem:s13], [sflag:$0x3] =	stream.linear.gather [hbm4b:s29+s3], $0x800, $0x38;
	[tilespmem:$0x1CC00] =	vst v63  }
0x28: {  	_ =	swait.ge [sflag:s12], $0x800  }
0x29: {  	[sflag:s12] =	ssyncset.done $0x0  }
0x2a: {  	[sflag:s12] =	ssyncadd.s32 $0xFFFFF800  }
0x2b: {  	[tilespmem:s15], [sflag:$0x1] =	stream.indirect.gather [hbm4b:s6+s14], $0x80, s3, s14, $0xb8;
	[tilespmem:$0x1CC00] =	vst v63  }
0x2c: {  	_ = 	snop  }
0x2d: {  	[tilespmem:s16], [sflag:$0x2] =	stream.indirect.gather [hbm4b:s6+s14], $0x80, s14, s14, $0xb8;
	[tilespmem:$0x1CC00] =	vst v63  }
0x2e: {  	_ =	swait.ge [sflag:s17], $0x4000  }
0x2f: {  	[sflag:s17] =	ssyncset.done $0x0  }
0x30: {  	[sflag:s17] =	ssyncadd.s32 $0xFFFFC000  }
0x31: {  	[spmem:s1] =	stream.indirect.scatter.add.f32 [tilespmem:s15], [sflag:$0x3], $0x80, s13, s14, $0xb8;
	[tilespmem:$0x1CC00] =	vst v63  }
0x32: {  	_ =	swait.ge [sflag:s12], $0x4000  }
0x33: {  	[sflag:s12] =	ssyncset.done $0x0  }
0x34: {  	s20 =	simm.s32 $0x100;
	[sflag:s12] =	ssyncadd.s32 $0xFFFFC000  }
0x35: {  	[tilespmem:s15], [sflag:$0x1] =	stream.indirect.gather [hbm4b:s6+s14], $0x80, s20, s14, $0xb8;
	[tilespmem:$0x1CC00] =	vst v63  }
0x36: {  	_ =	swait.ge [sflag:s19], $0x4000  }
0x37: {  	[sflag:s19] =	ssyncset.done $0x0  }
0x38: {  	s20 =	simm.s32 $0x880;
	[sflag:s19] =	ssyncadd.s32 $0xFFFFC000  }
0x39: {  	[spmem:s1] =	stream.indirect.scatter.add.f32 [tilespmem:s16], [sflag:$0x3], $0x80, s20, s14, $0xb8;
	[tilespmem:$0x1CC00] =	vst v63  }
0x3a: {  	_ =	swait.ge [sflag:s12], $0x4000  }
0x3b: {  	[sflag:s12] =	ssyncset.done $0x0  }
0x3c: {  	s20 =	simm.s32 $0x180;
	[sflag:s12] =	ssyncadd.s32 $0xFFFFC000  }
0x3d: {  	[tilespmem:s16], [sflag:$0x2] =	stream.indirect.gather [hbm4b:s6+s14], $0x80, s20, s14, $0xb8;
	[tilespmem:$0x1CC00] =	vst v63  }
0x3e: {  	_ =	swait.ge [sflag:s17], $0x4000  }
0x3f: {  	[sflag:s17] =	ssyncset.done $0x0  }
0x40: {  	s20 =	simm.s32 $0x900;
	[sflag:s17] =	ssyncadd.s32 $0xFFFFC000  }
0x41: {  	[spmem:s1] =	stream.indirect.scatter.add.f32 [tilespmem:s15], [sflag:$0x3], $0x80, s20, s14, $0xb8;
	[tilespmem:$0x1CC00] =	vst v63  }
0x42: {  	_ =	swait.ge [sflag:s12], $0x4000  }
0x43: {  	[sflag:s12] =	ssyncset.done $0x0  }
0x44: {  	s20 =	simm.s32 $0x200;
	[sflag:s12] =	ssyncadd.s32 $0xFFFFC000  }
0x45: {  	[tilespmem:s15], [sflag:$0x1] =	stream.indirect.gather [hbm4b:s6+s14], $0x80, s20, s14, $0xb8;
	[tilespmem:$0x1CC00] =	vst v63  }
0x46: {  	_ =	swait.ge [sflag:s19], $0x4000  }
0x47: {  	[sflag:s19] =	ssyncset.done $0x0  }
0x48: {  	s20 =	simm.s32 $0x980;
	[sflag:s19] =	ssyncadd.s32 $0xFFFFC000  }
0x49: {  	[spmem:s1] =	stream.indirect.scatter.add.f32 [tilespmem:s16], [sflag:$0x3], $0x80, s20, s14, $0xb8;
	[tilespmem:$0x1CC00] =	vst v63  }
0x4a: {  	_ =	swait.ge [sflag:s12], $0x4000  }
0x4b: {  	[sflag:s12] =	ssyncset.done $0x0  }
0x4c: {  	s20 =	simm.s32 $0x280;
	[sflag:s12] =	ssyncadd.s32 $0xFFFFC000  }
0x4d: {  	[tilespmem:s16], [sflag:$0x2] =	stream.indirect.gather [hbm4b:s6+s14], $0x80, s20, s14, $0xb8;
	[tilespmem:$0x1CC00] =	vst v63  }
0x4e: {  	_ =	swait.ge [sflag:s17], $0x4000  }
0x4f: {  	[sflag:s17] =	ssyncset.done $0x0  }
0x50: {  	s20 =	simm.s32 $0xA00;
	[sflag:s17] =	ssyncadd.s32 $0xFFFFC000  }
0x51: {  	[spmem:s1] =	stream.indirect.scatter.add.f32 [tilespmem:s15], [sflag:$0x3], $0x80, s20, s14, $0xb8;
	[tilespmem:$0x1CC00] =	vst v63  }
0x52: {  	_ =	swait.ge [sflag:s12], $0x4000  }
0x53: {  	[sflag:s12] =	ssyncset.done $0x0  }
0x54: {  	s20 =	simm.s32 $0x300;
	[sflag:s12] =	ssyncadd.s32 $0xFFFFC000  }
0x55: {  	[tilespmem:s15], [sflag:$0x1] =	stream.indirect.gather [hbm4b:s6+s14], $0x80, s20, s14, $0xb8;
	[tilespmem:$0x1CC00] =	vst v63  }
0x56: {  	_ =	swait.ge [sflag:s19], $0x4000  }
0x57: {  	[sflag:s19] =	ssyncset.done $0x0  }
0x58: {  	s20 =	simm.s32 $0xA80;
	[sflag:s19] =	ssyncadd.s32 $0xFFFFC000  }
0x59: {  	[spmem:s1] =	stream.indirect.scatter.add.f32 [tilespmem:s16], [sflag:$0x3], $0x80, s20, s14, $0xb8;
	[tilespmem:$0x1CC00] =	vst v63  }
0x5a: {  	_ =	swait.ge [sflag:s12], $0x4000  }
0x5b: {  	[sflag:s12] =	ssyncset.done $0x0  }
0x5c: {  	s20 =	simm.s32 $0x380;
	[sflag:s12] =	ssyncadd.s32 $0xFFFFC000  }
0x5d: {  	[tilespmem:s16], [sflag:$0x2] =	stream.indirect.gather [hbm4b:s6+s14], $0x80, s20, s14, $0xb8;
	[tilespmem:$0x1CC00] =	vst v63  }
0x5e: {  	_ =	swait.ge [sflag:s17], $0x4000  }
0x5f: {  	[sflag:s17] =	ssyncset.done $0x0  }
0x60: {  	s20 =	simm.s32 $0xB00;
	[sflag:s17] =	ssyncadd.s32 $0xFFFFC000  }
0x61: {  	[spmem:s1] =	stream.indirect.scatter.add.f32 [tilespmem:s15], [sflag:$0x3], $0x80, s20, s14, $0xb8;
	[tilespmem:$0x1CC00] =	vst v63  }
0x62: {  	_ =	swait.ge [sflag:s12], $0x4000  }
0x63: {  	[sflag:s12] =	ssyncset.done $0x0  }
0x64: {  	[sflag:s12] =	ssyncadd.s32 $0xFFFFC000  }
0x65: {  	[tilespmem:s15], [sflag:$0x1] =	stream.indirect.gather [hbm4b:s6+s14], $0x80, s21, s14, $0xb8;
	[tilespmem:$0x1CC00] =	vst v63  }
0x66: {  	_ =	swait.ge [sflag:s19], $0x4000  }
0x67: {  	[sflag:s19] =	ssyncset.done $0x0  }
0x68: {  	[sflag:s19] =	ssyncadd.s32 $0xFFFFC000  }
0x69: {  	[spmem:s1] =	stream.indirect.scatter.add.f32 [tilespmem:s16], [sflag:$0x3], $0x80, s22, s14, $0xb8;
	[tilespmem:$0x1CC00] =	vst v63  }
0x6a: {  	_ =	swait.ge [sflag:s12], $0x4000  }
0x6b: {  	[sflag:s12] =	ssyncset.done $0x0  }
0x6c: {  	[sflag:s12] =	ssyncadd.s32 $0xFFFFC000  }
0x6d: {  	[tilespmem:s16], [sflag:$0x2] =	stream.indirect.gather [hbm4b:s6+s14], $0x80, s23, s14, $0xb8;
	[tilespmem:$0x1CC00] =	vst v63  }
0x6e: {  	_ =	swait.ge [sflag:s17], $0x4000  }
0x6f: {  	[sflag:s17] =	ssyncset.done $0x0  }
0x70: {  	[sflag:s17] =	ssyncadd.s32 $0xFFFFC000  }
0x71: {  	[spmem:s1] =	stream.indirect.scatter.add.f32 [tilespmem:s15], [sflag:$0x3], $0x80, s24, s14, $0xb8;
	[tilespmem:$0x1CC00] =	vst v63  }
0x72: {  	_ =	swait.ge [sflag:s12], $0x4000  }
0x73: {  	[sflag:s12] =	ssyncset.done $0x0  }
0x74: {  	[sflag:s12] =	ssyncadd.s32 $0xFFFFC000  }
0x75: {  	[tilespmem:s15], [sflag:$0x1] =	stream.indirect.gather [hbm4b:s6+s14], $0x80, s25, s14, $0xb8;
	[tilespmem:$0x1CC00] =	vst v63  }
0x76: {  	_ =	swait.ge [sflag:s19], $0x4000  }
0x77: {  	[sflag:s19] =	ssyncset.done $0x0  }
0x78: {  	[sflag:s19] =	ssyncadd.s32 $0xFFFFC000  }
0x79: {  	[spmem:s1] =	stream.indirect.scatter.add.f32 [tilespmem:s16], [sflag:$0x3], $0x80, s26, s14, $0xb8;
	[tilespmem:$0x1CC00] =	vst v63  }
0x7a: {  	_ =	swait.ge [sflag:s12], $0x4000  }
0x7b: {  	[sflag:s12] =	ssyncset.done $0x0  }
0x7c: {  	[sflag:s12] =	ssyncadd.s32 $0xFFFFC000  }
0x7d: {  	[tilespmem:s16], [sflag:$0x2] =	stream.indirect.gather [hbm4b:s6+s14], $0x80, s31, s14, $0xb8;
	[tilespmem:$0x1CC00] =	vst v63  }
0x7e: {  	_ =	swait.ge [sflag:s17], $0x4000  }
0x7f: {  	[sflag:s17] =	ssyncset.done $0x0  }
0x80: {  	[sflag:s17] =	ssyncadd.s32 $0xFFFFC000  }
0x81: {  	[spmem:s1] =	stream.indirect.scatter.add.f32 [tilespmem:s15], [sflag:$0x3], $0x80, s0, s14, $0xb8;
	[tilespmem:$0x1CC00] =	vst v63  }
0x82: {  	_ =	swait.ge [sflag:s12], $0x4000  }
0x83: {  	[sflag:s12] =	ssyncset.done $0x0  }
0x84: {  	[sflag:s12] =	ssyncadd.s32 $0xFFFFC000  }
0x85: {  	[tilespmem:s15], [sflag:$0x1] =	stream.indirect.gather [hbm4b:s6+s14], $0x80, s2, s14, $0xb8;
	[tilespmem:$0x1CC00] =	vst v63  }
0x86: {  	_ =	swait.ge [sflag:s19], $0x4000  }
0x87: {  	[sflag:s19] =	ssyncset.done $0x0  }
0x88: {  	[sflag:s19] =	ssyncadd.s32 $0xFFFFC000  }
0x89: {  	[spmem:s1] =	stream.indirect.scatter.add.f32 [tilespmem:s16], [sflag:$0x3], $0x80, s4, s14, $0xb8;
	[tilespmem:$0x1CC00] =	vst v63  }
0x8a: {  	_ =	swait.ge [sflag:s12], $0x4000  }
0x8b: {  	[sflag:s12] =	ssyncset.done $0x0  }
0x8c: {  	[sflag:s12] =	ssyncadd.s32 $0xFFFFC000  }
0x8d: {  	[tilespmem:s16], [sflag:$0x2] =	stream.indirect.gather [hbm4b:s6+s14], $0x80, s7, s14, $0xb8;
	[tilespmem:$0x1CC00] =	vst v63  }
0x8e: {  	_ =	swait.ge [sflag:s17], $0x4000  }
0x8f: {  	[sflag:s17] =	ssyncset.done $0x0  }
0x90: {  	[sflag:s17] =	ssyncadd.s32 $0xFFFFC000  }
0x91: {  	[spmem:s1] =	stream.indirect.scatter.add.f32 [tilespmem:s15], [sflag:$0x3], $0x80, s8, s14, $0xb8;
	[tilespmem:$0x1CC00] =	vst v63  }
0x92: {  	_ =	swait.ge [sflag:s12], $0x4000  }
0x93: {  	[sflag:s12] =	ssyncset.done $0x0  }
0x94: {  	[sflag:s12] =	ssyncadd.s32 $0xFFFFC000  }
0x95: {  	[tilespmem:s15], [sflag:$0x1] =	stream.indirect.gather [hbm4b:s6+s14], $0x80, s9, s14, $0xb8;
	[tilespmem:$0x1CC00] =	vst v63  }
0x96: {  	_ =	swait.ge [sflag:s19], $0x4000  }
0x97: {  	[sflag:s19] =	ssyncset.done $0x0  }
0x98: {  	[sflag:s19] =	ssyncadd.s32 $0xFFFFC000  }
0x99: {  	[spmem:s1] =	stream.indirect.scatter.add.f32 [tilespmem:s16], [sflag:$0x3], $0x80, s10, s14, $0xb8;
	[tilespmem:$0x1CC00] =	vst v63  }
0x9a: {  	_ =	swait.ge [sflag:s12], $0x4000  }
0x9b: {  	[sflag:s12] =	ssyncset.done $0x0  }
0x9c: {  	[sflag:s12] =	ssyncadd.s32 $0xFFFFC000  }
0x9d: {  	[tilespmem:s16], [sflag:$0x2] =	stream.indirect.gather [hbm4b:s6+s14], $0x80, s5, s14, $0xb8;
	[tilespmem:$0x1CC00] =	vst v63  }
0x9e: {  	_ =	swait.ge [sflag:s17], $0x4000  }
0x9f: {  	[sflag:s17] =	ssyncset.done $0x0  }
0xa0: {  	[sflag:s17] =	ssyncadd.s32 $0xFFFFC000  }
0xa1: {  	[spmem:s1] =	stream.indirect.scatter.add.f32 [tilespmem:s15], [sflag:$0x3], $0x80, s11, s14, $0xb8;
	[tilespmem:$0x1CC00] =	vst v63  }
0xa2: {  	_ =	swait.ge [sflag:s12], $0x4000  }
0xa3: {  	[sflag:s12] =	ssyncset.done $0x0  }
0xa4: {  	[sflag:s12] =	ssyncadd.s32 $0xFFFFC000  }
0xa5: {  	p1 =	slt.u32 @!p0 s30, $0x8;
	_ =	swait.ge [sflag:s19], $0x4000  }
0xa6: {  	p1 =	por p0, !p1;
	[sflag:s19] =	ssyncset.done $0x0  }
.Ltmp0:
0xa7: {  	[sflag:s19] =	ssyncadd.s32 $0xFFFFC000;
	(pc) =	sbr.rel @!p1 .LBB2_2-.Ltmp0, $4  }
0xa8: {  	[spmem:s1] =	stream.indirect.scatter.add.f32 [tilespmem:s16], [sflag:$0x3], $0x80, s18, s14, $0xb8;
	[tilespmem:$0x1CC00] =	vst v63  }
0xa9: {  	_ =	swait.ge [sflag:s12], $0x4000  }
0xaa: {  	s30 =	sadd.s32 $0x1, s30;
	[sflag:s12] =	ssyncset.done $0x0  }
0xab: {  	s28 =	sadd.s32 $0x100, s28;
	s29 =	sadd.s32 $0x100, s29;
	[sflag:s12] =	ssyncadd.s32 $0xFFFFC000  }
0xac: {  	[bflag:$0x0] =	sbarrier.arrive $0xFFFF  }
0xad: {  	s29 =	rddreg [dreg:$0x4]  }
0xae: {  	s28 =	rddreg [dreg:$0x5]  }
0xaf: {  	s30 =	rddreg [dreg:$0x9]  }
0xb0: {  	[hbm:s28], [sflag:s29] =	dma.local [spmem:s30], $0x2780  }
0xb1: {  	_ =	swait.ge [sflag:s12], $0x2780  }
0xb2: {  	s0 =	rddreg [dreg:$0xa]  }
0xb3: {  	s20 =	rddreg [dreg:$0x6];
	s0 =	sadd.s32 $0x1, s0  }
0xb4: {  	p1 =	sne.s32 s0, s20  }
.Ltmp1:
0xb5: {  	_ = 	snop;
	(pc) =	sbr.rel @p1 .LBB2_1-.Ltmp1, $3  }
0xb6: {  	_ =	sdelay $0x1  }
0xb7: {  	[sflag:s12] =	ssyncset.done $0x0  }
0xb8: {  	[sflag:s12] =	ssyncadd.s32 $0xFFFFD880  }
0xb9: {  	_ =	sfence.sel $0x180000  }
0xba: {  	[bflag:$0x0] =	sbarrier.arrive $0xFFFF  }
0xbb: {  	_ =	strace $0x90000047  }
0xbc: {  	s0 =	stileid.u32;
	[bflag:$0x2] =	sbarrier.arrive $0xFFFF  }
0xbd: {  	p0 =	sne.s32 s0, $0x0;
	s0 =	rddreg [dreg:$0x2]  }
0xbe: {  	s0 =	sadd.s32 @!p0 $0x100000, s0  }
0xbf: {  	[sflag:s0] =	ssyncadd.tile.s32 @!p0 $0x1;
	_ =	shalt  }
.Lfunc_end2:
_tile_overlayer_lowered:
.L_overlay_start_2:
0xc0: {  	(tag) =	ssettag $0x2  }
0xc1: {  	s0 =	rddreg [dreg:$0x0];
	s2 =	stileid.u32  }
0xc2: {  	s1 =	rddreg [dreg:$0x1];
	p0 =	sne.s32 s2, $0x0  }
0xc3: {  	s3 =	rddreg [dreg:$0x2];
	[bflag:$0x3] =	sbarrier.arrive $0xFFFF;
	s2 =	simm.s32 @!p0 $0x1C03  }
0xc4: {  	[timem:s3], [sflag:s2] =	dma.local @!p0 [hbm:s0], s1  }
0xc5: {  	s0 =	simm.s32 @!p0 $0x3  }
0xc6: {  	_ =	swait.ge @!p0 [sflag:s0], s1  }
0xc7: {  	s1 =	ssub.s32 @!p0 $0x0, s1;
	[sflag:s0] =	ssyncset.done @!p0 $0x0  }
0xc8: {  	[sflag:s0] =	ssyncadd.s32 @!p0 s1  }
0xc9: {  	[bflag:$0x3] =	sbarrier.arrive $0xFFFF  }
0xca: {  	_ =	shalt  }

</sc_bundles>
